<compile_context>
chip_gen: v7x
topology: tpu7x:2x2x1
jax: 0.10.2.dev20260603
libtpu: 0.0.44.dev20260713+nightly
codegen_flags: <defaults>
</compile_context>

<pallas_src>
import functools

import jax
import jax.numpy as jnp
from jax import lax
from jax.experimental import pallas as pl
from jax.experimental.pallas import tpu as pltpu
from jax.experimental.pallas import tpu_sc as plsc

N = 10000
E = 320000
D = 128
G = 128
L = 3

NC = 2
NS = 16
NW = NC * NS

CHUNK = 128
N_CHUNKS = E // CHUNK
ROWS_PER_TILE = 632

_sc_mesh = plsc.VectorSubcoreMesh(
    core_axis_name="c", subcore_axis_name="s", num_cores=NC, num_subcores=NS
)


@functools.partial(
    pl.kernel,
    out_type=jax.ShapeDtypeStruct((NC, N, D), jnp.float32),
    mesh=_sc_mesh,
    scratch_types=[
        pltpu.VMEM_SHARED((N, D), jnp.float32),
        pltpu.VMEM((CHUNK,), jnp.int32),
        pltpu.VMEM((CHUNK,), jnp.int32),
        pltpu.VMEM((CHUNK, D), jnp.float32),
        pltpu.SemaphoreType.DMA,
    ],
)
def _sc_agg(h_hbm, zero_hbm, src_hbm, dst_hbm, out_hbm, acc, src_v, dst_v,
            rows_v, sem):
    c = lax.axis_index("c")
    s = lax.axis_index("s")
    wid = s * NC + c

    r0 = pl.multiple_of(jnp.minimum(s * ROWS_PER_TILE, N - ROWS_PER_TILE), 8)

    @pl.when(c == 0)
    def _():
        pltpu.sync_copy(h_hbm.at[pl.ds(r0, ROWS_PER_TILE)],
                        acc.at[pl.ds(r0, ROWS_PER_TILE)])

    @pl.when(c != 0)
    def _():
        pltpu.sync_copy(zero_hbm.at[pl.ds(r0, ROWS_PER_TILE)],
                        acc.at[pl.ds(r0, ROWS_PER_TILE)])

    plsc.subcore_barrier()

    q, r = divmod(N_CHUNKS, NW)
    n_chunks = q + jnp.where(wid < r, 1, 0)
    start = wid * q + jnp.minimum(wid, r)

    def body(i, carry):
        base = pl.multiple_of((start + i) * CHUNK, CHUNK)
        pltpu.sync_copy(src_hbm.at[pl.ds(base, CHUNK)], src_v)
        pltpu.sync_copy(dst_hbm.at[pl.ds(base, CHUNK)], dst_v)
        pltpu.async_copy(h_hbm.at[src_v], rows_v, sem).wait()
        pltpu.sync_copy(rows_v, acc.at[dst_v], add=True)
        return carry

    lax.fori_loop(0, n_chunks, body, 0)

    plsc.subcore_barrier()
    pltpu.sync_copy(acc.at[pl.ds(r0, ROWS_PER_TILE)],
                    out_hbm.at[c, pl.ds(r0, ROWS_PER_TILE)])


BLK = 1000


def _tc_mlp_body(a0_ref, a1_ref, w1_ref, b1_ref, w2_ref, b2_ref, sc_ref,
                 sh_ref, out_ref):
    h2 = a0_ref[...] + a1_ref[...]
    t = jnp.dot(h2, w1_ref[...], preferred_element_type=jnp.float32)
    t = jnp.maximum(t + b1_ref[...], 0.0)
    t = jnp.dot(t, w2_ref[...], preferred_element_type=jnp.float32)
    t = (t + b2_ref[...]) * sc_ref[...] + sh_ref[...]
    out_ref[...] = jnp.maximum(t, 0.0)


_row_spec = pl.BlockSpec((BLK, D), lambda i: (i, 0))
_full_spec = pl.BlockSpec((D, D), lambda i: (0, 0))
_vec_spec = pl.BlockSpec((1, D), lambda i: (0, 0))

_tc_mlp = pl.pallas_call(
    _tc_mlp_body,
    grid=(N // BLK,),
    in_specs=[_row_spec, _row_spec, _full_spec, _vec_spec, _full_spec,
              _vec_spec, _vec_spec, _vec_spec],
    out_specs=_row_spec,
    out_shape=jax.ShapeDtypeStruct((N, D), jnp.float32),
)


def _tc_pool_body(b_ref, h_ref, out_ref):
    @pl.when(pl.program_id(0) == 0)
    def _():
        out_ref[...] = jnp.zeros_like(out_ref)

    seg = lax.broadcasted_iota(jnp.int32, (G, BLK), 0)
    onehot = (seg == b_ref[0]).astype(jnp.float32)
    out_ref[...] += jnp.dot(onehot, h_ref[...],
                            preferred_element_type=jnp.float32)


_tc_pool = pl.pallas_call(
    _tc_pool_body,
    grid=(N // BLK,),
    in_specs=[pl.BlockSpec((1, 1, BLK), lambda i: (i, 0, 0)), _row_spec],
    out_specs=pl.BlockSpec((G, D), lambda i: (0, 0)),
    out_shape=jax.ShapeDtypeStruct((G, D), jnp.float32),
)


def kernel(x, edge_index, batch, params, bn_stats):
    src = edge_index[0]
    dst = edge_index[1]
    zeros = jnp.zeros((N, D), jnp.float32)
    batch3 = batch.reshape(N // BLK, 1, BLK)

    h = x
    for l in range(L):
        agg = _sc_agg(h, zeros, src, dst)
        scale = (params[f"g_{l}"] /
                 jnp.sqrt(bn_stats[f"rv_{l}"] + 1e-5)).reshape(1, D)
        shift = (bn_stats[f"rm_{l}"] * (-scale[0]) +
                 params[f"be_{l}"]).reshape(1, D)
        h = _tc_mlp(agg[0], agg[1], params[f"W1_{l}"],
                    params[f"b1_{l}"].reshape(1, D), params[f"W2_{l}"],
                    params[f"b2_{l}"].reshape(1, D), scale, shift)

    x_pool = _tc_pool(batch3, h)
    return (h, x_pool)

# --- scband reference (transcript-rebuilt; emitter-appended) ---
"""Pipeline reference for scband-ginencoder-59708635349041 (READ-ONLY COPY).

The authoritative reference and input builder live on the scoring server;
editing this copy changes nothing except your own understanding.
"""

import jax, jax.numpy as jnp
import numpy as np

N = 10000
E = 320000
D = 128
H = 128
L = 3
G = 128


def setup_inputs(seed: int = 0) -> dict:
    key = jax.random.key(seed)
    ks = jax.random.split(key, 3 + 4 * L)
    x = jax.random.normal(ks[0], (N, D), dtype=jnp.float32)
    edge_index = jax.random.randint(ks[1], (2, E), 0, N, dtype=jnp.int32)
    batch = jnp.sort(jax.random.randint(ks[2], (N,), 0, G, dtype=jnp.int32))
    params = {}
    bn_stats = {}
    for l in range(L):
        in_d = D if l == 0 else H
        k0 = ks[3 + 4 * l]
        k1 = ks[4 + 4 * l]
        params[f"W1_{l}"] = jax.random.normal(k0, (in_d, H), dtype=jnp.float32) * 0.05
        params[f"b1_{l}"] = jnp.zeros((H,), dtype=jnp.float32)
        params[f"W2_{l}"] = jax.random.normal(k1, (H, H), dtype=jnp.float32) * 0.05
        params[f"b2_{l}"] = jnp.zeros((H,), dtype=jnp.float32)
        params[f"g_{l}"] = jnp.ones((H,), dtype=jnp.float32)
        params[f"be_{l}"] = jnp.zeros((H,), dtype=jnp.float32)
        bn_stats[f"rm_{l}"] = jnp.zeros((H,), dtype=jnp.float32)
        bn_stats[f"rv_{l}"] = jnp.ones((H,), dtype=jnp.float32)
    return {"x": x, "edge_index": edge_index, "batch": batch, "params": params, "bn_stats": bn_stats}


def reference(x, edge_index, batch, params, bn_stats):
    # GINEncoder in eval mode: dropout is identity, BatchNorm uses running stats.
    src = edge_index[0]
    dst = edge_index[1]
    h = x
    for l in range(L):
        # GINConv: mlp((1 + eps) * x + sum_{j in N(i)} x_j), eps = 0 (default, non-trainable)
        agg = jax.ops.segment_sum(jnp.take(h, src, axis=0), dst, num_segments=N)
        h2 = h + agg
        h2 = jnp.maximum(h2 @ params[f"W1_{l}"] + params[f"b1_{l}"], 0.0)
        h2 = h2 @ params[f"W2_{l}"] + params[f"b2_{l}"]
        # BatchNorm1d (eval): (h - running_mean) / sqrt(running_var + eps) * gamma + beta
        rm = bn_stats[f"rm_{l}"]
        rv = bn_stats[f"rv_{l}"]
        h2 = (h2 - rm) / jnp.sqrt(rv + 1e-5) * params[f"g_{l}"] + params[f"be_{l}"]
        h = jnp.maximum(h2, 0.0)
        # dropout: no-op in eval
    x_pool = jax.ops.segment_sum(h, batch, num_segments=G)
    return (h, x_pool)

if __name__ == "__main__":
    import jax
    _d = setup_inputs()
    print(jax.jit(kernel)(*tuple(_d.values())))

</pallas_src>

<mosaic_0001>
#map = affine_map<(d0, d1) -> (0, 0)>
#map1 = affine_map<(d0, d1) -> (0)>
#map2 = affine_map<(d0, d1) -> (0, 0, 0)>
module attributes {stable_mosaic.version = 14 : i64} {
  func.func @_sc_agg(%arg0: i32, %arg1: i32, %arg2: memref<10000x128xf32, #tpu.memory_space<hbm>>, %arg3: memref<10000x128xf32, #tpu.memory_space<hbm>>, %arg4: memref<320000xi32, #tpu.memory_space<hbm>>, %arg5: memref<320000xi32, #tpu.memory_space<hbm>>, %arg6: memref<2x10000x128xf32, #tpu.memory_space<hbm>>, %arg7: memref<10000x128xf32, #tpu.memory_space<vmem_shared>>, %arg8: memref<128xi32, #tpu.memory_space<vmem>>, %arg9: memref<128xi32, #tpu.memory_space<vmem>>, %arg10: memref<128x128xf32, #tpu.memory_space<vmem>>, %arg11: memref<!tpu.dma_semaphore, #tpu.memory_space<semaphore_mem>>) attributes {dimension_semantics = [#tpu.dimension_semantics<core_parallel>, #tpu.dimension_semantics<subcore_parallel>], iteration_bounds = array<i64: 2, 16>, scalar_prefetch = 0 : i64, scratch_operands = 5 : i64, tpu.core_type = #tpu.core_type<sc_vector_subcore>, window_params = [{transform_indices = #map}, {transform_indices = #map}, {transform_indices = #map1}, {transform_indices = #map1}, {transform_indices = #map2}]} {
    %mul3A = arith.constant 2 : i32
    %mul3A_0 = arith.muli %arg1, %mul3A : i32
    %add3A = arith.addi %mul3A_0, %arg0 : i32
    %mul3A_1 = arith.constant 632 : i32
    %mul3A_2 = arith.muli %arg1, %mul3A_1 : i32
    %min3A = arith.constant 9368 : i32
    %min3A_3 = arith.minsi %mul3A_2, %min3A : i32
    %multiple_of3A = tpu.assume_multiple %min3A_3, 8 : i32
    %eq3A = arith.constant 0 : i32
    %eq3A_4 = arith.cmpi eq, %arg0, %eq3A : i32
    %convert_element_type3A = arith.extui %eq3A_4 : i1 to i32
    %cond3A = arith.constant 0 : i32
    %cond3A_5 = arith.cmpi ne, %convert_element_type3A, %cond3A : i32
    scf.if %cond3A_5 {
      "tpu.region"() ({
        %run_scoped3A = tpu.sem_alloc : memref<!tpu.dma_semaphore, #tpu.memory_space<semaphore_mem>>
        %dma_start3A = arith.constant 0 : i32
        %dma_start3A_29 = tpu.memref_slice %arg7[%multiple_of3A, %dma_start3A] : memref<10000x128xf32, #tpu.memory_space<vmem_shared>> -> memref<632x128xf32, #tpu.memory_space<vmem_shared>>
        %dma_start3A_30 = arith.constant 0 : i32
        %dma_start3A_31 = tpu.memref_slice %arg2[%multiple_of3A, %dma_start3A_30] : memref<10000x128xf32, #tpu.memory_space<hbm>> -> memref<632x128xf32, #tpu.memory_space<hbm>>
        tpu.enqueue_dma source(%dma_start3A_31 : memref<632x128xf32, #tpu.memory_space<hbm>>) target(%dma_start3A_29 : memref<632x128xf32, #tpu.memory_space<vmem_shared>>) target_semaphore(%run_scoped3A : memref<!tpu.dma_semaphore, #tpu.memory_space<semaphore_mem>>)
        %dma_wait3A = arith.constant 0 : i32
        %dma_wait3A_32 = tpu.memref_slice %arg7[%multiple_of3A, %dma_wait3A] : memref<10000x128xf32, #tpu.memory_space<vmem_shared>> -> memref<632x128xf32, #tpu.memory_space<vmem_shared>>
        %dma_wait3A_33 = arith.constant 0 : i32
        %dma_wait3A_34 = tpu.memref_slice %arg2[%multiple_of3A, %dma_wait3A_33] : memref<10000x128xf32, #tpu.memory_space<hbm>> -> memref<632x128xf32, #tpu.memory_space<hbm>>
        tpu.wait_dma2 semaphore(%run_scoped3A : memref<!tpu.dma_semaphore, #tpu.memory_space<semaphore_mem>>) src(%dma_wait3A_34 : memref<632x128xf32, #tpu.memory_space<hbm>>) dst(%dma_wait3A_32 : memref<632x128xf32, #tpu.memory_space<vmem_shared>>)
        tpu.yield
      }) : () -> ()
    } else {
    }
    %ne3A = arith.constant 0 : i32
    %ne3A_6 = arith.cmpi ne, %arg0, %ne3A : i32
    %convert_element_type3A_7 = arith.extui %ne3A_6 : i1 to i32
    %cond3A_8 = arith.constant 0 : i32
    %cond3A_9 = arith.cmpi ne, %convert_element_type3A_7, %cond3A_8 : i32
    scf.if %cond3A_9 {
      "tpu.region"() ({
        %run_scoped3A = tpu.sem_alloc : memref<!tpu.dma_semaphore, #tpu.memory_space<semaphore_mem>>
        %dma_start3A = arith.constant 0 : i32
        %dma_start3A_29 = tpu.memref_slice %arg7[%multiple_of3A, %dma_start3A] : memref<10000x128xf32, #tpu.memory_space<vmem_shared>> -> memref<632x128xf32, #tpu.memory_space<vmem_shared>>
        %dma_start3A_30 = arith.constant 0 : i32
        %dma_start3A_31 = tpu.memref_slice %arg3[%multiple_of3A, %dma_start3A_30] : memref<10000x128xf32, #tpu.memory_space<hbm>> -> memref<632x128xf32, #tpu.memory_space<hbm>>
        tpu.enqueue_dma source(%dma_start3A_31 : memref<632x128xf32, #tpu.memory_space<hbm>>) target(%dma_start3A_29 : memref<632x128xf32, #tpu.memory_space<vmem_shared>>) target_semaphore(%run_scoped3A : memref<!tpu.dma_semaphore, #tpu.memory_space<semaphore_mem>>)
        %dma_wait3A = arith.constant 0 : i32
        %dma_wait3A_32 = tpu.memref_slice %arg7[%multiple_of3A, %dma_wait3A] : memref<10000x128xf32, #tpu.memory_space<vmem_shared>> -> memref<632x128xf32, #tpu.memory_space<vmem_shared>>
        %dma_wait3A_33 = arith.constant 0 : i32
        %dma_wait3A_34 = tpu.memref_slice %arg3[%multiple_of3A, %dma_wait3A_33] : memref<10000x128xf32, #tpu.memory_space<hbm>> -> memref<632x128xf32, #tpu.memory_space<hbm>>
        tpu.wait_dma2 semaphore(%run_scoped3A : memref<!tpu.dma_semaphore, #tpu.memory_space<semaphore_mem>>) src(%dma_wait3A_34 : memref<632x128xf32, #tpu.memory_space<hbm>>) dst(%dma_wait3A_32 : memref<632x128xf32, #tpu.memory_space<vmem_shared>>)
        tpu.yield
      }) : () -> ()
    } else {
    }
    %barrier3A = arith.constant 0 : index
    tpu.barrier barrier_id(%barrier3A)
    %lt3A = arith.constant 4 : i32
    %lt3A_10 = arith.cmpi slt, %add3A, %lt3A : i32
    %jit3A = arith.constant 1 : i32
    %jit3A_11 = arith.constant 0 : i32
    %select_n3A = arith.select %lt3A_10, %jit3A, %jit3A_11 : i32
    %add3A_12 = arith.constant 78 : i32
    %add3A_13 = arith.addi %add3A_12, %select_n3A : i32
    %mul3A_14 = arith.constant 78 : i32
    %mul3A_15 = arith.muli %add3A, %mul3A_14 : i32
    %min3A_16 = arith.constant 4 : i32
    %min3A_17 = arith.minsi %add3A, %min3A_16 : i32
    %add3A_18 = arith.addi %mul3A_15, %min3A_17 : i32
    %while3A = arith.constant 0 : i32
    %while3A_19 = arith.constant 0 : i32
    %while3A_20 = arith.subi %add3A_13, %while3A_19 : i32
    %while3A_21 = arith.addi %while3A_19, %while3A_20 : i32
    %while3A_22 = arith.constant 1 : i32
    %while3A_23 = arith.divsi %while3A_20, %while3A_22 : i32
    %while3A_24 = arith.muli %while3A_23, %while3A_22 : i32
    %while3A_25 = arith.addi %while3A_19, %while3A_24 : i32
    %while3A_26 = arith.constant 1 : i32
    scf.for %while3A_29 = %while3A_19 to %while3A_25 step %while3A_26  : i32 {
      %add3A_30 = arith.addi %add3A_18, %while3A_29 : i32
      %mul3A_31 = arith.constant 128 : i32
      %mul3A_32 = arith.muli %add3A_30, %mul3A_31 : i32
      %multiple_of3A_33 = tpu.assume_multiple %mul3A_32, 128 : i32
      "tpu.region"() ({
        %run_scoped3A = tpu.sem_alloc : memref<!tpu.dma_semaphore, #tpu.memory_space<semaphore_mem>>
        %dma_start3A_38 = tpu.memref_slice %arg4[%multiple_of3A_33] : memref<320000xi32, #tpu.memory_space<hbm>> -> memref<128xi32, #tpu.memory_space<hbm>>
        %dma_start3A_39 = tpu.memref_slice %arg4[%multiple_of3A_33] : memref<320000xi32, #tpu.memory_space<hbm>> -> memref<128xi32, #tpu.memory_space<hbm>>
        tpu.enqueue_dma source(%dma_start3A_39 : memref<128xi32, #tpu.memory_space<hbm>>) target(%arg8 : memref<128xi32, #tpu.memory_space<vmem>>) target_semaphore(%run_scoped3A : memref<!tpu.dma_semaphore, #tpu.memory_space<semaphore_mem>>)
        %dma_wait3A_40 = tpu.memref_slice %arg4[%multiple_of3A_33] : memref<320000xi32, #tpu.memory_space<hbm>> -> memref<128xi32, #tpu.memory_space<hbm>>
        %dma_wait3A_41 = tpu.memref_slice %arg4[%multiple_of3A_33] : memref<320000xi32, #tpu.memory_space<hbm>> -> memref<128xi32, #tpu.memory_space<hbm>>
        tpu.wait_dma2 semaphore(%run_scoped3A : memref<!tpu.dma_semaphore, #tpu.memory_space<semaphore_mem>>) src(%dma_wait3A_41 : memref<128xi32, #tpu.memory_space<hbm>>) dst(%arg8 : memref<128xi32, #tpu.memory_space<vmem>>)
        tpu.yield
      }) : () -> ()
      "tpu.region"() ({
        %run_scoped3A = tpu.sem_alloc : memref<!tpu.dma_semaphore, #tpu.memory_space<semaphore_mem>>
        %dma_start3A_38 = tpu.memref_slice %arg5[%multiple_of3A_33] : memref<320000xi32, #tpu.memory_space<hbm>> -> memref<128xi32, #tpu.memory_space<hbm>>
        %dma_start3A_39 = tpu.memref_slice %arg5[%multiple_of3A_33] : memref<320000xi32, #tpu.memory_space<hbm>> -> memref<128xi32, #tpu.memory_space<hbm>>
        tpu.enqueue_dma source(%dma_start3A_39 : memref<128xi32, #tpu.memory_space<hbm>>) target(%arg9 : memref<128xi32, #tpu.memory_space<vmem>>) target_semaphore(%run_scoped3A : memref<!tpu.dma_semaphore, #tpu.memory_space<semaphore_mem>>)
        %dma_wait3A_40 = tpu.memref_slice %arg5[%multiple_of3A_33] : memref<320000xi32, #tpu.memory_space<hbm>> -> memref<128xi32, #tpu.memory_space<hbm>>
        %dma_wait3A_41 = tpu.memref_slice %arg5[%multiple_of3A_33] : memref<320000xi32, #tpu.memory_space<hbm>> -> memref<128xi32, #tpu.memory_space<hbm>>
        tpu.wait_dma2 semaphore(%run_scoped3A : memref<!tpu.dma_semaphore, #tpu.memory_space<semaphore_mem>>) src(%dma_wait3A_41 : memref<128xi32, #tpu.memory_space<hbm>>) dst(%arg9 : memref<128xi32, #tpu.memory_space<vmem>>)
        tpu.yield
      }) : () -> ()
      %dma_start3A = arith.constant 0 : i32
      %dma_start3A_34 = arith.constant 0 : i32
      %dma_start3A_35 = tpu.memref_slice %arg2[%dma_start3A, %dma_start3A_34] : memref<10000x128xf32, #tpu.memory_space<hbm>> -> memref<10000x128xf32, #tpu.memory_space<hbm>>
      tpu.enqueue_indirect_dma source(%dma_start3A_35 : memref<10000x128xf32, #tpu.memory_space<hbm>>) target(%arg10 : memref<128x128xf32, #tpu.memory_space<vmem>>) offsets(%arg8 : memref<128xi32, #tpu.memory_space<vmem>>) semaphore(%arg11 : memref<!tpu.dma_semaphore, #tpu.memory_space<semaphore_mem>>)
      %dma_wait3A = arith.constant 0 : i32
      %dma_wait3A_36 = arith.constant 0 : i32
      %dma_wait3A_37 = tpu.memref_slice %arg2[%dma_wait3A, %dma_wait3A_36] : memref<10000x128xf32, #tpu.memory_space<hbm>> -> memref<10000x128xf32, #tpu.memory_space<hbm>>
      tpu.wait_indirect_dma semaphore(%arg11 : memref<!tpu.dma_semaphore, #tpu.memory_space<semaphore_mem>>) src(%dma_wait3A_37 : memref<10000x128xf32, #tpu.memory_space<hbm>>) dst(%arg10 : memref<128x128xf32, #tpu.memory_space<vmem>>)
      "tpu.region"() ({
        %run_scoped3A = tpu.sem_alloc : memref<!tpu.dma_semaphore, #tpu.memory_space<semaphore_mem>>
        %dma_start3A_38 = arith.constant 0 : i32
        %dma_start3A_39 = arith.constant 0 : i32
        %dma_start3A_40 = tpu.memref_slice %arg7[%dma_start3A_38, %dma_start3A_39] : memref<10000x128xf32, #tpu.memory_space<vmem_shared>> -> memref<10000x128xf32, #tpu.memory_space<vmem_shared>>
        tpu.enqueue_indirect_dma source(%arg10 : memref<128x128xf32, #tpu.memory_space<vmem>>) target(%dma_start3A_40 : memref<10000x128xf32, #tpu.memory_space<vmem_shared>>) offsets(%arg9 : memref<128xi32, #tpu.memory_space<vmem>>) semaphore(%run_scoped3A : memref<!tpu.dma_semaphore, #tpu.memory_space<semaphore_mem>>) {add = true}
        %dma_wait3A_41 = arith.constant 0 : i32
        %dma_wait3A_42 = arith.constant 0 : i32
        %dma_wait3A_43 = tpu.memref_slice %arg7[%dma_wait3A_41, %dma_wait3A_42] : memref<10000x128xf32, #tpu.memory_space<vmem_shared>> -> memref<10000x128xf32, #tpu.memory_space<vmem_shared>>
        tpu.wait_indirect_dma semaphore(%run_scoped3A : memref<!tpu.dma_semaphore, #tpu.memory_space<semaphore_mem>>) src(%arg10 : memref<128x128xf32, #tpu.memory_space<vmem>>) dst(%dma_wait3A_43 : memref<10000x128xf32, #tpu.memory_space<vmem_shared>>)
        tpu.yield
      }) : () -> ()
    }
    %while3A_27 = arith.constant 1 : i32
    scf.for %while3A_29 = %while3A_25 to %while3A_21 step %while3A_27  : i32 {
      %add3A_30 = arith.addi %add3A_18, %while3A_29 : i32
      %mul3A_31 = arith.constant 128 : i32
      %mul3A_32 = arith.muli %add3A_30, %mul3A_31 : i32
      %multiple_of3A_33 = tpu.assume_multiple %mul3A_32, 128 : i32
      "tpu.region"() ({
        %run_scoped3A = tpu.sem_alloc : memref<!tpu.dma_semaphore, #tpu.memory_space<semaphore_mem>>
        %dma_start3A_38 = tpu.memref_slice %arg4[%multiple_of3A_33] : memref<320000xi32, #tpu.memory_space<hbm>> -> memref<128xi32, #tpu.memory_space<hbm>>
        %dma_start3A_39 = tpu.memref_slice %arg4[%multiple_of3A_33] : memref<320000xi32, #tpu.memory_space<hbm>> -> memref<128xi32, #tpu.memory_space<hbm>>
        tpu.enqueue_dma source(%dma_start3A_39 : memref<128xi32, #tpu.memory_space<hbm>>) target(%arg8 : memref<128xi32, #tpu.memory_space<vmem>>) target_semaphore(%run_scoped3A : memref<!tpu.dma_semaphore, #tpu.memory_space<semaphore_mem>>)
        %dma_wait3A_40 = tpu.memref_slice %arg4[%multiple_of3A_33] : memref<320000xi32, #tpu.memory_space<hbm>> -> memref<128xi32, #tpu.memory_space<hbm>>
        %dma_wait3A_41 = tpu.memref_slice %arg4[%multiple_of3A_33] : memref<320000xi32, #tpu.memory_space<hbm>> -> memref<128xi32, #tpu.memory_space<hbm>>
        tpu.wait_dma2 semaphore(%run_scoped3A : memref<!tpu.dma_semaphore, #tpu.memory_space<semaphore_mem>>) src(%dma_wait3A_41 : memref<128xi32, #tpu.memory_space<hbm>>) dst(%arg8 : memref<128xi32, #tpu.memory_space<vmem>>)
        tpu.yield
      }) : () -> ()
      "tpu.region"() ({
        %run_scoped3A = tpu.sem_alloc : memref<!tpu.dma_semaphore, #tpu.memory_space<semaphore_mem>>
        %dma_start3A_38 = tpu.memref_slice %arg5[%multiple_of3A_33] : memref<320000xi32, #tpu.memory_space<hbm>> -> memref<128xi32, #tpu.memory_space<hbm>>
        %dma_start3A_39 = tpu.memref_slice %arg5[%multiple_of3A_33] : memref<320000xi32, #tpu.memory_space<hbm>> -> memref<128xi32, #tpu.memory_space<hbm>>
        tpu.enqueue_dma source(%dma_start3A_39 : memref<128xi32, #tpu.memory_space<hbm>>) target(%arg9 : memref<128xi32, #tpu.memory_space<vmem>>) target_semaphore(%run_scoped3A : memref<!tpu.dma_semaphore, #tpu.memory_space<semaphore_mem>>)
        %dma_wait3A_40 = tpu.memref_slice %arg5[%multiple_of3A_33] : memref<320000xi32, #tpu.memory_space<hbm>> -> memref<128xi32, #tpu.memory_space<hbm>>
        %dma_wait3A_41 = tpu.memref_slice %arg5[%multiple_of3A_33] : memref<320000xi32, #tpu.memory_space<hbm>> -> memref<128xi32, #tpu.memory_space<hbm>>
        tpu.wait_dma2 semaphore(%run_scoped3A : memref<!tpu.dma_semaphore, #tpu.memory_space<semaphore_mem>>) src(%dma_wait3A_41 : memref<128xi32, #tpu.memory_space<hbm>>) dst(%arg9 : memref<128xi32, #tpu.memory_space<vmem>>)
        tpu.yield
      }) : () -> ()
      %dma_start3A = arith.constant 0 : i32
      %dma_start3A_34 = arith.constant 0 : i32
      %dma_start3A_35 = tpu.memref_slice %arg2[%dma_start3A, %dma_start3A_34] : memref<10000x128xf32, #tpu.memory_space<hbm>> -> memref<10000x128xf32, #tpu.memory_space<hbm>>
      tpu.enqueue_indirect_dma source(%dma_start3A_35 : memref<10000x128xf32, #tpu.memory_space<hbm>>) target(%arg10 : memref<128x128xf32, #tpu.memory_space<vmem>>) offsets(%arg8 : memref<128xi32, #tpu.memory_space<vmem>>) semaphore(%arg11 : memref<!tpu.dma_semaphore, #tpu.memory_space<semaphore_mem>>)
      %dma_wait3A = arith.constant 0 : i32
      %dma_wait3A_36 = arith.constant 0 : i32
      %dma_wait3A_37 = tpu.memref_slice %arg2[%dma_wait3A, %dma_wait3A_36] : memref<10000x128xf32, #tpu.memory_space<hbm>> -> memref<10000x128xf32, #tpu.memory_space<hbm>>
      tpu.wait_indirect_dma semaphore(%arg11 : memref<!tpu.dma_semaphore, #tpu.memory_space<semaphore_mem>>) src(%dma_wait3A_37 : memref<10000x128xf32, #tpu.memory_space<hbm>>) dst(%arg10 : memref<128x128xf32, #tpu.memory_space<vmem>>)
      "tpu.region"() ({
        %run_scoped3A = tpu.sem_alloc : memref<!tpu.dma_semaphore, #tpu.memory_space<semaphore_mem>>
        %dma_start3A_38 = arith.constant 0 : i32
        %dma_start3A_39 = arith.constant 0 : i32
        %dma_start3A_40 = tpu.memref_slice %arg7[%dma_start3A_38, %dma_start3A_39] : memref<10000x128xf32, #tpu.memory_space<vmem_shared>> -> memref<10000x128xf32, #tpu.memory_space<vmem_shared>>
        tpu.enqueue_indirect_dma source(%arg10 : memref<128x128xf32, #tpu.memory_space<vmem>>) target(%dma_start3A_40 : memref<10000x128xf32, #tpu.memory_space<vmem_shared>>) offsets(%arg9 : memref<128xi32, #tpu.memory_space<vmem>>) semaphore(%run_scoped3A : memref<!tpu.dma_semaphore, #tpu.memory_space<semaphore_mem>>) {add = true}
        %dma_wait3A_41 = arith.constant 0 : i32
        %dma_wait3A_42 = arith.constant 0 : i32
        %dma_wait3A_43 = tpu.memref_slice %arg7[%dma_wait3A_41, %dma_wait3A_42] : memref<10000x128xf32, #tpu.memory_space<vmem_shared>> -> memref<10000x128xf32, #tpu.memory_space<vmem_shared>>
        tpu.wait_indirect_dma semaphore(%run_scoped3A : memref<!tpu.dma_semaphore, #tpu.memory_space<semaphore_mem>>) src(%arg10 : memref<128x128xf32, #tpu.memory_space<vmem>>) dst(%dma_wait3A_43 : memref<10000x128xf32, #tpu.memory_space<vmem_shared>>)
        tpu.yield
      }) : () -> ()
    }
    %barrier3A_28 = arith.constant 0 : index
    tpu.barrier barrier_id(%barrier3A_28)
    "tpu.region"() ({
      %run_scoped3A = tpu.sem_alloc : memref<!tpu.dma_semaphore, #tpu.memory_space<semaphore_mem>>
      %dma_start3A = arith.constant 0 : i32
      %dma_start3A_29 = tpu.memref_slice %arg6[%arg0, %multiple_of3A, %dma_start3A] : memref<2x10000x128xf32, #tpu.memory_space<hbm>> -> memref<1x632x128xf32, #tpu.memory_space<hbm>>
      %dma_start3A_30 = tpu.memref_squeeze %dma_start3A_29 : memref<1x632x128xf32, #tpu.memory_space<hbm>> -> memref<632x128xf32, #tpu.memory_space<hbm>>
      %dma_start3A_31 = arith.constant 0 : i32
      %dma_start3A_32 = tpu.memref_slice %arg7[%multiple_of3A, %dma_start3A_31] : memref<10000x128xf32, #tpu.memory_space<vmem_shared>> -> memref<632x128xf32, #tpu.memory_space<vmem_shared>>
      tpu.enqueue_dma source(%dma_start3A_32 : memref<632x128xf32, #tpu.memory_space<vmem_shared>>) target(%dma_start3A_30 : memref<632x128xf32, #tpu.memory_space<hbm>>) target_semaphore(%run_scoped3A : memref<!tpu.dma_semaphore, #tpu.memory_space<semaphore_mem>>)
      %dma_wait3A = arith.constant 0 : i32
      %dma_wait3A_33 = tpu.memref_slice %arg6[%arg0, %multiple_of3A, %dma_wait3A] : memref<2x10000x128xf32, #tpu.memory_space<hbm>> -> memref<1x632x128xf32, #tpu.memory_space<hbm>>
      %dma_wait3A_34 = tpu.memref_squeeze %dma_wait3A_33 : memref<1x632x128xf32, #tpu.memory_space<hbm>> -> memref<632x128xf32, #tpu.memory_space<hbm>>
      %dma_wait3A_35 = arith.constant 0 : i32
      %dma_wait3A_36 = tpu.memref_slice %arg7[%multiple_of3A, %dma_wait3A_35] : memref<10000x128xf32, #tpu.memory_space<vmem_shared>> -> memref<632x128xf32, #tpu.memory_space<vmem_shared>>
      tpu.wait_dma2 semaphore(%run_scoped3A : memref<!tpu.dma_semaphore, #tpu.memory_space<semaphore_mem>>) src(%dma_wait3A_36 : memref<632x128xf32, #tpu.memory_space<vmem_shared>>) dst(%dma_wait3A_34 : memref<632x128xf32, #tpu.memory_space<hbm>>)
      tpu.yield
    }) : () -> ()
    return
  }
}

#map = affine_map<(d0, d1) -> (0, 0)>
#map1 = affine_map<(d0, d1) -> (0)>
#map2 = affine_map<(d0, d1) -> (0, 0, 0)>
module attributes {stable_mosaic.version = 14 : i64} {
  func.func @_sc_agg(%arg0: i32, %arg1: i32, %arg2: memref<10000x128xf32, #tpu.memory_space<hbm>>, %arg3: memref<10000x128xf32, #tpu.memory_space<hbm>>, %arg4: memref<320000xi32, #tpu.memory_space<hbm>>, %arg5: memref<320000xi32, #tpu.memory_space<hbm>>, %arg6: memref<2x10000x128xf32, #tpu.memory_space<hbm>>, %arg7: memref<10000x128xf32, #tpu.memory_space<vmem_shared>>, %arg8: memref<128xi32, #tpu.memory_space<vmem>>, %arg9: memref<128xi32, #tpu.memory_space<vmem>>, %arg10: memref<128x128xf32, #tpu.memory_space<vmem>>, %arg11: memref<!tpu.dma_semaphore, #tpu.memory_space<semaphore_mem>>) attributes {dimension_semantics = [#tpu.dimension_semantics<core_parallel>, #tpu.dimension_semantics<subcore_parallel>], iteration_bounds = array<i64: 2, 16>, scalar_prefetch = 0 : i64, scratch_operands = 5 : i64, tpu.core_type = #tpu.core_type<sc_vector_subcore>, window_params = [{transform_indices = #map}, {transform_indices = #map}, {transform_indices = #map1}, {transform_indices = #map1}, {transform_indices = #map2}]} {
    %mul3A = arith.constant 2 : i32
    %mul3A_0 = arith.muli %arg1, %mul3A : i32
    %add3A = arith.addi %mul3A_0, %arg0 : i32
    %mul3A_1 = arith.constant 632 : i32
    %mul3A_2 = arith.muli %arg1, %mul3A_1 : i32
    %min3A = arith.constant 9368 : i32
    %min3A_3 = arith.minsi %mul3A_2, %min3A : i32
    %multiple_of3A = tpu.assume_multiple %min3A_3, 8 : i32
    %eq3A = arith.constant 0 : i32
    %eq3A_4 = arith.cmpi eq, %arg0, %eq3A : i32
    %convert_element_type3A = arith.extui %eq3A_4 : i1 to i32
    %cond3A = arith.constant 0 : i32
    %cond3A_5 = arith.cmpi ne, %convert_element_type3A, %cond3A : i32
    scf.if %cond3A_5 {
      "tpu.region"() ({
        %run_scoped3A = tpu.sem_alloc : memref<!tpu.dma_semaphore, #tpu.memory_space<semaphore_mem>>
        %dma_start3A = arith.constant 0 : i32
        %dma_start3A_29 = tpu.memref_slice %arg7[%multiple_of3A, %dma_start3A] : memref<10000x128xf32, #tpu.memory_space<vmem_shared>> -> memref<632x128xf32, #tpu.memory_space<vmem_shared>>
        %dma_start3A_30 = arith.constant 0 : i32
        %dma_start3A_31 = tpu.memref_slice %arg2[%multiple_of3A, %dma_start3A_30] : memref<10000x128xf32, #tpu.memory_space<hbm>> -> memref<632x128xf32, #tpu.memory_space<hbm>>
        tpu.enqueue_dma source(%dma_start3A_31 : memref<632x128xf32, #tpu.memory_space<hbm>>) target(%dma_start3A_29 : memref<632x128xf32, #tpu.memory_space<vmem_shared>>) target_semaphore(%run_scoped3A : memref<!tpu.dma_semaphore, #tpu.memory_space<semaphore_mem>>)
        %dma_wait3A = arith.constant 0 : i32
        %dma_wait3A_32 = tpu.memref_slice %arg7[%multiple_of3A, %dma_wait3A] : memref<10000x128xf32, #tpu.memory_space<vmem_shared>> -> memref<632x128xf32, #tpu.memory_space<vmem_shared>>
        %dma_wait3A_33 = arith.constant 0 : i32
        %dma_wait3A_34 = tpu.memref_slice %arg2[%multiple_of3A, %dma_wait3A_33] : memref<10000x128xf32, #tpu.memory_space<hbm>> -> memref<632x128xf32, #tpu.memory_space<hbm>>
        tpu.wait_dma2 semaphore(%run_scoped3A : memref<!tpu.dma_semaphore, #tpu.memory_space<semaphore_mem>>) src(%dma_wait3A_34 : memref<632x128xf32, #tpu.memory_space<hbm>>) dst(%dma_wait3A_32 : memref<632x128xf32, #tpu.memory_space<vmem_shared>>)
        tpu.yield
      }) : () -> ()
    } else {
    }
    %ne3A = arith.constant 0 : i32
    %ne3A_6 = arith.cmpi ne, %arg0, %ne3A : i32
    %convert_element_type3A_7 = arith.extui %ne3A_6 : i1 to i32
    %cond3A_8 = arith.constant 0 : i32
    %cond3A_9 = arith.cmpi ne, %convert_element_type3A_7, %cond3A_8 : i32
    scf.if %cond3A_9 {
      "tpu.region"() ({
        %run_scoped3A = tpu.sem_alloc : memref<!tpu.dma_semaphore, #tpu.memory_space<semaphore_mem>>
        %dma_start3A = arith.constant 0 : i32
        %dma_start3A_29 = tpu.memref_slice %arg7[%multiple_of3A, %dma_start3A] : memref<10000x128xf32, #tpu.memory_space<vmem_shared>> -> memref<632x128xf32, #tpu.memory_space<vmem_shared>>
        %dma_start3A_30 = arith.constant 0 : i32
        %dma_start3A_31 = tpu.memref_slice %arg3[%multiple_of3A, %dma_start3A_30] : memref<10000x128xf32, #tpu.memory_space<hbm>> -> memref<632x128xf32, #tpu.memory_space<hbm>>
        tpu.enqueue_dma source(%dma_start3A_31 : memref<632x128xf32, #tpu.memory_space<hbm>>) target(%dma_start3A_29 : memref<632x128xf32, #tpu.memory_space<vmem_shared>>) target_semaphore(%run_scoped3A : memref<!tpu.dma_semaphore, #tpu.memory_space<semaphore_mem>>)
        %dma_wait3A = arith.constant 0 : i32
        %dma_wait3A_32 = tpu.memref_slice %arg7[%multiple_of3A, %dma_wait3A] : memref<10000x128xf32, #tpu.memory_space<vmem_shared>> -> memref<632x128xf32, #tpu.memory_space<vmem_shared>>
        %dma_wait3A_33 = arith.constant 0 : i32
        %dma_wait3A_34 = tpu.memref_slice %arg3[%multiple_of3A, %dma_wait3A_33] : memref<10000x128xf32, #tpu.memory_space<hbm>> -> memref<632x128xf32, #tpu.memory_space<hbm>>
        tpu.wait_dma2 semaphore(%run_scoped3A : memref<!tpu.dma_semaphore, #tpu.memory_space<semaphore_mem>>) src(%dma_wait3A_34 : memref<632x128xf32, #tpu.memory_space<hbm>>) dst(%dma_wait3A_32 : memref<632x128xf32, #tpu.memory_space<vmem_shared>>)
        tpu.yield
      }) : () -> ()
    } else {
    }
    %barrier3A = arith.constant 0 : index
    tpu.barrier barrier_id(%barrier3A)
    %lt3A = arith.constant 4 : i32
    %lt3A_10 = arith.cmpi slt, %add3A, %lt3A : i32
    %jit3A = arith.constant 1 : i32
    %jit3A_11 = arith.constant 0 : i32
    %select_n3A = arith.select %lt3A_10, %jit3A, %jit3A_11 : i32
    %add3A_12 = arith.constant 78 : i32
    %add3A_13 = arith.addi %add3A_12, %select_n3A : i32
    %mul3A_14 = arith.constant 78 : i32
    %mul3A_15 = arith.muli %add3A, %mul3A_14 : i32
    %min3A_16 = arith.constant 4 : i32
    %min3A_17 = arith.minsi %add3A, %min3A_16 : i32
    %add3A_18 = arith.addi %mul3A_15, %min3A_17 : i32
    %while3A = arith.constant 0 : i32
    %while3A_19 = arith.constant 0 : i32
    %while3A_20 = arith.subi %add3A_13, %while3A_19 : i32
    %while3A_21 = arith.addi %while3A_19, %while3A_20 : i32
    %while3A_22 = arith.constant 1 : i32
    %while3A_23 = arith.divsi %while3A_20, %while3A_22 : i32
    %while3A_24 = arith.muli %while3A_23, %while3A_22 : i32
    %while3A_25 = arith.addi %while3A_19, %while3A_24 : i32
    %while3A_26 = arith.constant 1 : i32
    scf.for %while3A_29 = %while3A_19 to %while3A_25 step %while3A_26  : i32 {
      %add3A_30 = arith.addi %add3A_18, %while3A_29 : i32
      %mul3A_31 = arith.constant 128 : i32
      %mul3A_32 = arith.muli %add3A_30, %mul3A_31 : i32
      %multiple_of3A_33 = tpu.assume_multiple %mul3A_32, 128 : i32
      "tpu.region"() ({
        %run_scoped3A = tpu.sem_alloc : memref<!tpu.dma_semaphore, #tpu.memory_space<semaphore_mem>>
        %dma_start3A_38 = tpu.memref_slice %arg4[%multiple_of3A_33] : memref<320000xi32, #tpu.memory_space<hbm>> -> memref<128xi32, #tpu.memory_space<hbm>>
        %dma_start3A_39 = tpu.memref_slice %arg4[%multiple_of3A_33] : memref<320000xi32, #tpu.memory_space<hbm>> -> memref<128xi32, #tpu.memory_space<hbm>>
        tpu.enqueue_dma source(%dma_start3A_39 : memref<128xi32, #tpu.memory_space<hbm>>) target(%arg8 : memref<128xi32, #tpu.memory_space<vmem>>) target_semaphore(%run_scoped3A : memref<!tpu.dma_semaphore, #tpu.memory_space<semaphore_mem>>)
        %dma_wait3A_40 = tpu.memref_slice %arg4[%multiple_of3A_33] : memref<320000xi32, #tpu.memory_space<hbm>> -> memref<128xi32, #tpu.memory_space<hbm>>
        %dma_wait3A_41 = tpu.memref_slice %arg4[%multiple_of3A_33] : memref<320000xi32, #tpu.memory_space<hbm>> -> memref<128xi32, #tpu.memory_space<hbm>>
        tpu.wait_dma2 semaphore(%run_scoped3A : memref<!tpu.dma_semaphore, #tpu.memory_space<semaphore_mem>>) src(%dma_wait3A_41 : memref<128xi32, #tpu.memory_space<hbm>>) dst(%arg8 : memref<128xi32, #tpu.memory_space<vmem>>)
        tpu.yield
      }) : () -> ()
      "tpu.region"() ({
        %run_scoped3A = tpu.sem_alloc : memref<!tpu.dma_semaphore, #tpu.memory_space<semaphore_mem>>
        %dma_start3A_38 = tpu.memref_slice %arg5[%multiple_of3A_33] : memref<320000xi32, #tpu.memory_space<hbm>> -> memref<128xi32, #tpu.memory_space<hbm>>
        %dma_start3A_39 = tpu.memref_slice %arg5[%multiple_of3A_33] : memref<320000xi32, #tpu.memory_space<hbm>> -> memref<128xi32, #tpu.memory_space<hbm>>
        tpu.enqueue_dma source(%dma_start3A_39 : memref<128xi32, #tpu.memory_space<hbm>>) target(%arg9 : memref<128xi32, #tpu.memory_space<vmem>>) target_semaphore(%run_scoped3A : memref<!tpu.dma_semaphore, #tpu.memory_space<semaphore_mem>>)
        %dma_wait3A_40 = tpu.memref_slice %arg5[%multiple_of3A_33] : memref<320000xi32, #tpu.memory_space<hbm>> -> memref<128xi32, #tpu.memory_space<hbm>>
        %dma_wait3A_41 = tpu.memref_slice %arg5[%multiple_of3A_33] : memref<320000xi32, #tpu.memory_space<hbm>> -> memref<128xi32, #tpu.memory_space<hbm>>
        tpu.wait_dma2 semaphore(%run_scoped3A : memref<!tpu.dma_semaphore, #tpu.memory_space<semaphore_mem>>) src(%dma_wait3A_41 : memref<128xi32, #tpu.memory_space<hbm>>) dst(%arg9 : memref<128xi32, #tpu.memory_space<vmem>>)
        tpu.yield
      }) : () -> ()
      %dma_start3A = arith.constant 0 : i32
      %dma_start3A_34 = arith.constant 0 : i32
      %dma_start3A_35 = tpu.memref_slice %arg2[%dma_start3A, %dma_start3A_34] : memref<10000x128xf32, #tpu.memory_space<hbm>> -> memref<10000x128xf32, #tpu.memory_space<hbm>>
      tpu.enqueue_indirect_dma source(%dma_start3A_35 : memref<10000x128xf32, #tpu.memory_space<hbm>>) target(%arg10 : memref<128x128xf32, #tpu.memory_space<vmem>>) offsets(%arg8 : memref<128xi32, #tpu.memory_space<vmem>>) semaphore(%arg11 : memref<!tpu.dma_semaphore, #tpu.memory_space<semaphore_mem>>)
      %dma_wait3A = arith.constant 0 : i32
      %dma_wait3A_36 = arith.constant 0 : i32
      %dma_wait3A_37 = tpu.memref_slice %arg2[%dma_wait3A, %dma_wait3A_36] : memref<10000x128xf32, #tpu.memory_space<hbm>> -> memref<10000x128xf32, #tpu.memory_space<hbm>>
      tpu.wait_indirect_dma semaphore(%arg11 : memref<!tpu.dma_semaphore, #tpu.memory_space<semaphore_mem>>) src(%dma_wait3A_37 : memref<10000x128xf32, #tpu.memory_space<hbm>>) dst(%arg10 : memref<128x128xf32, #tpu.memory_space<vmem>>)
      "tpu.region"() ({
        %run_scoped3A = tpu.sem_alloc : memref<!tpu.dma_semaphore, #tpu.memory_space<semaphore_mem>>
        %dma_start3A_38 = arith.constant 0 : i32
        %dma_start3A_39 = arith.constant 0 : i32
        %dma_start3A_40 = tpu.memref_slice %arg7[%dma_start3A_38, %dma_start3A_39] : memref<10000x128xf32, #tpu.memory_space<vmem_shared>> -> memref<10000x128xf32, #tpu.memory_space<vmem_shared>>
        tpu.enqueue_indirect_dma source(%arg10 : memref<128x128xf32, #tpu.memory_space<vmem>>) target(%dma_start3A_40 : memref<10000x128xf32, #tpu.memory_space<vmem_shared>>) offsets(%arg9 : memref<128xi32, #tpu.memory_space<vmem>>) semaphore(%run_scoped3A : memref<!tpu.dma_semaphore, #tpu.memory_space<semaphore_mem>>) {add = true}
        %dma_wait3A_41 = arith.constant 0 : i32
        %dma_wait3A_42 = arith.constant 0 : i32
        %dma_wait3A_43 = tpu.memref_slice %arg7[%dma_wait3A_41, %dma_wait3A_42] : memref<10000x128xf32, #tpu.memory_space<vmem_shared>> -> memref<10000x128xf32, #tpu.memory_space<vmem_shared>>
        tpu.wait_indirect_dma semaphore(%run_scoped3A : memref<!tpu.dma_semaphore, #tpu.memory_space<semaphore_mem>>) src(%arg10 : memref<128x128xf32, #tpu.memory_space<vmem>>) dst(%dma_wait3A_43 : memref<10000x128xf32, #tpu.memory_space<vmem_shared>>)
        tpu.yield
      }) : () -> ()
    }
    %while3A_27 = arith.constant 1 : i32
    scf.for %while3A_29 = %while3A_25 to %while3A_21 step %while3A_27  : i32 {
      %add3A_30 = arith.addi %add3A_18, %while3A_29 : i32
      %mul3A_31 = arith.constant 128 : i32
      %mul3A_32 = arith.muli %add3A_30, %mul3A_31 : i32
      %multiple_of3A_33 = tpu.assume_multiple %mul3A_32, 128 : i32
      "tpu.region"() ({
        %run_scoped3A = tpu.sem_alloc : memref<!tpu.dma_semaphore, #tpu.memory_space<semaphore_mem>>
        %dma_start3A_38 = tpu.memref_slice %arg4[%multiple_of3A_33] : memref<320000xi32, #tpu.memory_space<hbm>> -> memref<128xi32, #tpu.memory_space<hbm>>
        %dma_start3A_39 = tpu.memref_slice %arg4[%multiple_of3A_33] : memref<320000xi32, #tpu.memory_space<hbm>> -> memref<128xi32, #tpu.memory_space<hbm>>
        tpu.enqueue_dma source(%dma_start3A_39 : memref<128xi32, #tpu.memory_space<hbm>>) target(%arg8 : memref<128xi32, #tpu.memory_space<vmem>>) target_semaphore(%run_scoped3A : memref<!tpu.dma_semaphore, #tpu.memory_space<semaphore_mem>>)
        %dma_wait3A_40 = tpu.memref_slice %arg4[%multiple_of3A_33] : memref<320000xi32, #tpu.memory_space<hbm>> -> memref<128xi32, #tpu.memory_space<hbm>>
        %dma_wait3A_41 = tpu.memref_slice %arg4[%multiple_of3A_33] : memref<320000xi32, #tpu.memory_space<hbm>> -> memref<128xi32, #tpu.memory_space<hbm>>
        tpu.wait_dma2 semaphore(%run_scoped3A : memref<!tpu.dma_semaphore, #tpu.memory_space<semaphore_mem>>) src(%dma_wait3A_41 : memref<128xi32, #tpu.memory_space<hbm>>) dst(%arg8 : memref<128xi32, #tpu.memory_space<vmem>>)
        tpu.yield
      }) : () -> ()
      "tpu.region"() ({
        %run_scoped3A = tpu.sem_alloc : memref<!tpu.dma_semaphore, #tpu.memory_space<semaphore_mem>>
        %dma_start3A_38 = tpu.memref_slice %arg5[%multiple_of3A_33] : memref<320000xi32, #tpu.memory_space<hbm>> -> memref<128xi32, #tpu.memory_space<hbm>>
        %dma_start3A_39 = tpu.memref_slice %arg5[%multiple_of3A_33] : memref<320000xi32, #tpu.memory_space<hbm>> -> memref<128xi32, #tpu.memory_space<hbm>>
        tpu.enqueue_dma source(%dma_start3A_39 : memref<128xi32, #tpu.memory_space<hbm>>) target(%arg9 : memref<128xi32, #tpu.memory_space<vmem>>) target_semaphore(%run_scoped3A : memref<!tpu.dma_semaphore, #tpu.memory_space<semaphore_mem>>)
        %dma_wait3A_40 = tpu.memref_slice %arg5[%multiple_of3A_33] : memref<320000xi32, #tpu.memory_space<hbm>> -> memref<128xi32, #tpu.memory_space<hbm>>
        %dma_wait3A_41 = tpu.memref_slice %arg5[%multiple_of3A_33] : memref<320000xi32, #tpu.memory_space<hbm>> -> memref<128xi32, #tpu.memory_space<hbm>>
        tpu.wait_dma2 semaphore(%run_scoped3A : memref<!tpu.dma_semaphore, #tpu.memory_space<semaphore_mem>>) src(%dma_wait3A_41 : memref<128xi32, #tpu.memory_space<hbm>>) dst(%arg9 : memref<128xi32, #tpu.memory_space<vmem>>)
        tpu.yield
      }) : () -> ()
      %dma_start3A = arith.constant 0 : i32
      %dma_start3A_34 = arith.constant 0 : i32
      %dma_start3A_35 = tpu.memref_slice %arg2[%dma_start3A, %dma_start3A_34] : memref<10000x128xf32, #tpu.memory_space<hbm>> -> memref<10000x128xf32, #tpu.memory_space<hbm>>
      tpu.enqueue_indirect_dma source(%dma_start3A_35 : memref<10000x128xf32, #tpu.memory_space<hbm>>) target(%arg10 : memref<128x128xf32, #tpu.memory_space<vmem>>) offsets(%arg8 : memref<128xi32, #tpu.memory_space<vmem>>) semaphore(%arg11 : memref<!tpu.dma_semaphore, #tpu.memory_space<semaphore_mem>>)
      %dma_wait3A = arith.constant 0 : i32
      %dma_wait3A_36 = arith.constant 0 : i32
      %dma_wait3A_37 = tpu.memref_slice %arg2[%dma_wait3A, %dma_wait3A_36] : memref<10000x128xf32, #tpu.memory_space<hbm>> -> memref<10000x128xf32, #tpu.memory_space<hbm>>
      tpu.wait_indirect_dma semaphore(%arg11 : memref<!tpu.dma_semaphore, #tpu.memory_space<semaphore_mem>>) src(%dma_wait3A_37 : memref<10000x128xf32, #tpu.memory_space<hbm>>) dst(%arg10 : memref<128x128xf32, #tpu.memory_space<vmem>>)
      "tpu.region"() ({
        %run_scoped3A = tpu.sem_alloc : memref<!tpu.dma_semaphore, #tpu.memory_space<semaphore_mem>>
        %dma_start3A_38 = arith.constant 0 : i32
        %dma_start3A_39 = arith.constant 0 : i32
        %dma_start3A_40 = tpu.memref_slice %arg7[%dma_start3A_38, %dma_start3A_39] : memref<10000x128xf32, #tpu.memory_space<vmem_shared>> -> memref<10000x128xf32, #tpu.memory_space<vmem_shared>>
        tpu.enqueue_indirect_dma source(%arg10 : memref<128x128xf32, #tpu.memory_space<vmem>>) target(%dma_start3A_40 : memref<10000x128xf32, #tpu.memory_space<vmem_shared>>) offsets(%arg9 : memref<128xi32, #tpu.memory_space<vmem>>) semaphore(%run_scoped3A : memref<!tpu.dma_semaphore, #tpu.memory_space<semaphore_mem>>) {add = true}
        %dma_wait3A_41 = arith.constant 0 : i32
        %dma_wait3A_42 = arith.constant 0 : i32
        %dma_wait3A_43 = tpu.memref_slice %arg7[%dma_wait3A_41, %dma_wait3A_42] : memref<10000x128xf32, #tpu.memory_space<vmem_shared>> -> memref<10000x128xf32, #tpu.memory_space<vmem_shared>>
        tpu.wait_indirect_dma semaphore(%run_scoped3A : memref<!tpu.dma_semaphore, #tpu.memory_space<semaphore_mem>>) src(%arg10 : memref<128x128xf32, #tpu.memory_space<vmem>>) dst(%dma_wait3A_43 : memref<10000x128xf32, #tpu.memory_space<vmem_shared>>)
        tpu.yield
      }) : () -> ()
    }
    %barrier3A_28 = arith.constant 0 : index
    tpu.barrier barrier_id(%barrier3A_28)
    "tpu.region"() ({
      %run_scoped3A = tpu.sem_alloc : memref<!tpu.dma_semaphore, #tpu.memory_space<semaphore_mem>>
      %dma_start3A = arith.constant 0 : i32
      %dma_start3A_29 = tpu.memref_slice %arg6[%arg0, %multiple_of3A, %dma_start3A] : memref<2x10000x128xf32, #tpu.memory_space<hbm>> -> memref<1x632x128xf32, #tpu.memory_space<hbm>>
      %dma_start3A_30 = tpu.memref_squeeze %dma_start3A_29 : memref<1x632x128xf32, #tpu.memory_space<hbm>> -> memref<632x128xf32, #tpu.memory_space<hbm>>
      %dma_start3A_31 = arith.constant 0 : i32
      %dma_start3A_32 = tpu.memref_slice %arg7[%multiple_of3A, %dma_start3A_31] : memref<10000x128xf32, #tpu.memory_space<vmem_shared>> -> memref<632x128xf32, #tpu.memory_space<vmem_shared>>
      tpu.enqueue_dma source(%dma_start3A_32 : memref<632x128xf32, #tpu.memory_space<vmem_shared>>) target(%dma_start3A_30 : memref<632x128xf32, #tpu.memory_space<hbm>>) target_semaphore(%run_scoped3A : memref<!tpu.dma_semaphore, #tpu.memory_space<semaphore_mem>>)
      %dma_wait3A = arith.constant 0 : i32
      %dma_wait3A_33 = tpu.memref_slice %arg6[%arg0, %multiple_of3A, %dma_wait3A] : memref<2x10000x128xf32, #tpu.memory_space<hbm>> -> memref<1x632x128xf32, #tpu.memory_space<hbm>>
      %dma_wait3A_34 = tpu.memref_squeeze %dma_wait3A_33 : memref<1x632x128xf32, #tpu.memory_space<hbm>> -> memref<632x128xf32, #tpu.memory_space<hbm>>
      %dma_wait3A_35 = arith.constant 0 : i32
      %dma_wait3A_36 = tpu.memref_slice %arg7[%multiple_of3A, %dma_wait3A_35] : memref<10000x128xf32, #tpu.memory_space<vmem_shared>> -> memref<632x128xf32, #tpu.memory_space<vmem_shared>>
      tpu.wait_dma2 semaphore(%run_scoped3A : memref<!tpu.dma_semaphore, #tpu.memory_space<semaphore_mem>>) src(%dma_wait3A_36 : memref<632x128xf32, #tpu.memory_space<vmem_shared>>) dst(%dma_wait3A_34 : memref<632x128xf32, #tpu.memory_space<hbm>>)
      tpu.yield
    }) : () -> ()
    return
  }
}

#map = affine_map<(d0, d1) -> (0, 0)>
#map1 = affine_map<(d0, d1) -> (0)>
#map2 = affine_map<(d0, d1) -> (0, 0, 0)>
module attributes {stable_mosaic.version = 14 : i64} {
  func.func @_sc_agg(%arg0: i32, %arg1: i32, %arg2: memref<10000x128xf32, #tpu.memory_space<hbm>>, %arg3: memref<10000x128xf32, #tpu.memory_space<hbm>>, %arg4: memref<320000xi32, #tpu.memory_space<hbm>>, %arg5: memref<320000xi32, #tpu.memory_space<hbm>>, %arg6: memref<2x10000x128xf32, #tpu.memory_space<hbm>>, %arg7: memref<10000x128xf32, #tpu.memory_space<vmem_shared>>, %arg8: memref<128xi32, #tpu.memory_space<vmem>>, %arg9: memref<128xi32, #tpu.memory_space<vmem>>, %arg10: memref<128x128xf32, #tpu.memory_space<vmem>>, %arg11: memref<!tpu.dma_semaphore, #tpu.memory_space<semaphore_mem>>) attributes {dimension_semantics = [#tpu.dimension_semantics<core_parallel>, #tpu.dimension_semantics<subcore_parallel>], iteration_bounds = array<i64: 2, 16>, scalar_prefetch = 0 : i64, scratch_operands = 5 : i64, tpu.core_type = #tpu.core_type<sc_vector_subcore>, window_params = [{transform_indices = #map}, {transform_indices = #map}, {transform_indices = #map1}, {transform_indices = #map1}, {transform_indices = #map2}]} {
    %mul3A = arith.constant 2 : i32
    %mul3A_0 = arith.muli %arg1, %mul3A : i32
    %add3A = arith.addi %mul3A_0, %arg0 : i32
    %mul3A_1 = arith.constant 632 : i32
    %mul3A_2 = arith.muli %arg1, %mul3A_1 : i32
    %min3A = arith.constant 9368 : i32
    %min3A_3 = arith.minsi %mul3A_2, %min3A : i32
    %multiple_of3A = tpu.assume_multiple %min3A_3, 8 : i32
    %eq3A = arith.constant 0 : i32
    %eq3A_4 = arith.cmpi eq, %arg0, %eq3A : i32
    %convert_element_type3A = arith.extui %eq3A_4 : i1 to i32
    %cond3A = arith.constant 0 : i32
    %cond3A_5 = arith.cmpi ne, %convert_element_type3A, %cond3A : i32
    scf.if %cond3A_5 {
      "tpu.region"() ({
        %run_scoped3A = tpu.sem_alloc : memref<!tpu.dma_semaphore, #tpu.memory_space<semaphore_mem>>
        %dma_start3A = arith.constant 0 : i32
        %dma_start3A_29 = tpu.memref_slice %arg7[%multiple_of3A, %dma_start3A] : memref<10000x128xf32, #tpu.memory_space<vmem_shared>> -> memref<632x128xf32, #tpu.memory_space<vmem_shared>>
        %dma_start3A_30 = arith.constant 0 : i32
        %dma_start3A_31 = tpu.memref_slice %arg2[%multiple_of3A, %dma_start3A_30] : memref<10000x128xf32, #tpu.memory_space<hbm>> -> memref<632x128xf32, #tpu.memory_space<hbm>>
        tpu.enqueue_dma source(%dma_start3A_31 : memref<632x128xf32, #tpu.memory_space<hbm>>) target(%dma_start3A_29 : memref<632x128xf32, #tpu.memory_space<vmem_shared>>) target_semaphore(%run_scoped3A : memref<!tpu.dma_semaphore, #tpu.memory_space<semaphore_mem>>)
        %dma_wait3A = arith.constant 0 : i32
        %dma_wait3A_32 = tpu.memref_slice %arg7[%multiple_of3A, %dma_wait3A] : memref<10000x128xf32, #tpu.memory_space<vmem_shared>> -> memref<632x128xf32, #tpu.memory_space<vmem_shared>>
        %dma_wait3A_33 = arith.constant 0 : i32
        %dma_wait3A_34 = tpu.memref_slice %arg2[%multiple_of3A, %dma_wait3A_33] : memref<10000x128xf32, #tpu.memory_space<hbm>> -> memref<632x128xf32, #tpu.memory_space<hbm>>
        tpu.wait_dma2 semaphore(%run_scoped3A : memref<!tpu.dma_semaphore, #tpu.memory_space<semaphore_mem>>) src(%dma_wait3A_34 : memref<632x128xf32, #tpu.memory_space<hbm>>) dst(%dma_wait3A_32 : memref<632x128xf32, #tpu.memory_space<vmem_shared>>)
        tpu.yield
      }) : () -> ()
    } else {
    }
    %ne3A = arith.constant 0 : i32
    %ne3A_6 = arith.cmpi ne, %arg0, %ne3A : i32
    %convert_element_type3A_7 = arith.extui %ne3A_6 : i1 to i32
    %cond3A_8 = arith.constant 0 : i32
    %cond3A_9 = arith.cmpi ne, %convert_element_type3A_7, %cond3A_8 : i32
    scf.if %cond3A_9 {
      "tpu.region"() ({
        %run_scoped3A = tpu.sem_alloc : memref<!tpu.dma_semaphore, #tpu.memory_space<semaphore_mem>>
        %dma_start3A = arith.constant 0 : i32
        %dma_start3A_29 = tpu.memref_slice %arg7[%multiple_of3A, %dma_start3A] : memref<10000x128xf32, #tpu.memory_space<vmem_shared>> -> memref<632x128xf32, #tpu.memory_space<vmem_shared>>
        %dma_start3A_30 = arith.constant 0 : i32
        %dma_start3A_31 = tpu.memref_slice %arg3[%multiple_of3A, %dma_start3A_30] : memref<10000x128xf32, #tpu.memory_space<hbm>> -> memref<632x128xf32, #tpu.memory_space<hbm>>
        tpu.enqueue_dma source(%dma_start3A_31 : memref<632x128xf32, #tpu.memory_space<hbm>>) target(%dma_start3A_29 : memref<632x128xf32, #tpu.memory_space<vmem_shared>>) target_semaphore(%run_scoped3A : memref<!tpu.dma_semaphore, #tpu.memory_space<semaphore_mem>>)
        %dma_wait3A = arith.constant 0 : i32
        %dma_wait3A_32 = tpu.memref_slice %arg7[%multiple_of3A, %dma_wait3A] : memref<10000x128xf32, #tpu.memory_space<vmem_shared>> -> memref<632x128xf32, #tpu.memory_space<vmem_shared>>
        %dma_wait3A_33 = arith.constant 0 : i32
        %dma_wait3A_34 = tpu.memref_slice %arg3[%multiple_of3A, %dma_wait3A_33] : memref<10000x128xf32, #tpu.memory_space<hbm>> -> memref<632x128xf32, #tpu.memory_space<hbm>>
        tpu.wait_dma2 semaphore(%run_scoped3A : memref<!tpu.dma_semaphore, #tpu.memory_space<semaphore_mem>>) src(%dma_wait3A_34 : memref<632x128xf32, #tpu.memory_space<hbm>>) dst(%dma_wait3A_32 : memref<632x128xf32, #tpu.memory_space<vmem_shared>>)
        tpu.yield
      }) : () -> ()
    } else {
    }
    %barrier3A = arith.constant 0 : index
    tpu.barrier barrier_id(%barrier3A)
    %lt3A = arith.constant 4 : i32
    %lt3A_10 = arith.cmpi slt, %add3A, %lt3A : i32
    %jit3A = arith.constant 1 : i32
    %jit3A_11 = arith.constant 0 : i32
    %select_n3A = arith.select %lt3A_10, %jit3A, %jit3A_11 : i32
    %add3A_12 = arith.constant 78 : i32
    %add3A_13 = arith.addi %add3A_12, %select_n3A : i32
    %mul3A_14 = arith.constant 78 : i32
    %mul3A_15 = arith.muli %add3A, %mul3A_14 : i32
    %min3A_16 = arith.constant 4 : i32
    %min3A_17 = arith.minsi %add3A, %min3A_16 : i32
    %add3A_18 = arith.addi %mul3A_15, %min3A_17 : i32
    %while3A = arith.constant 0 : i32
    %while3A_19 = arith.constant 0 : i32
    %while3A_20 = arith.subi %add3A_13, %while3A_19 : i32
    %while3A_21 = arith.addi %while3A_19, %while3A_20 : i32
    %while3A_22 = arith.constant 1 : i32
    %while3A_23 = arith.divsi %while3A_20, %while3A_22 : i32
    %while3A_24 = arith.muli %while3A_23, %while3A_22 : i32
    %while3A_25 = arith.addi %while3A_19, %while3A_24 : i32
    %while3A_26 = arith.constant 1 : i32
    scf.for %while3A_29 = %while3A_19 to %while3A_25 step %while3A_26  : i32 {
      %add3A_30 = arith.addi %add3A_18, %while3A_29 : i32
      %mul3A_31 = arith.constant 128 : i32
      %mul3A_32 = arith.muli %add3A_30, %mul3A_31 : i32
      %multiple_of3A_33 = tpu.assume_multiple %mul3A_32, 128 : i32
      "tpu.region"() ({
        %run_scoped3A = tpu.sem_alloc : memref<!tpu.dma_semaphore, #tpu.memory_space<semaphore_mem>>
        %dma_start3A_38 = tpu.memref_slice %arg4[%multiple_of3A_33] : memref<320000xi32, #tpu.memory_space<hbm>> -> memref<128xi32, #tpu.memory_space<hbm>>
        %dma_start3A_39 = tpu.memref_slice %arg4[%multiple_of3A_33] : memref<320000xi32, #tpu.memory_space<hbm>> -> memref<128xi32, #tpu.memory_space<hbm>>
        tpu.enqueue_dma source(%dma_start3A_39 : memref<128xi32, #tpu.memory_space<hbm>>) target(%arg8 : memref<128xi32, #tpu.memory_space<vmem>>) target_semaphore(%run_scoped3A : memref<!tpu.dma_semaphore, #tpu.memory_space<semaphore_mem>>)
        %dma_wait3A_40 = tpu.memref_slice %arg4[%multiple_of3A_33] : memref<320000xi32, #tpu.memory_space<hbm>> -> memref<128xi32, #tpu.memory_space<hbm>>
        %dma_wait3A_41 = tpu.memref_slice %arg4[%multiple_of3A_33] : memref<320000xi32, #tpu.memory_space<hbm>> -> memref<128xi32, #tpu.memory_space<hbm>>
        tpu.wait_dma2 semaphore(%run_scoped3A : memref<!tpu.dma_semaphore, #tpu.memory_space<semaphore_mem>>) src(%dma_wait3A_41 : memref<128xi32, #tpu.memory_space<hbm>>) dst(%arg8 : memref<128xi32, #tpu.memory_space<vmem>>)
        tpu.yield
      }) : () -> ()
      "tpu.region"() ({
        %run_scoped3A = tpu.sem_alloc : memref<!tpu.dma_semaphore, #tpu.memory_space<semaphore_mem>>
        %dma_start3A_38 = tpu.memref_slice %arg5[%multiple_of3A_33] : memref<320000xi32, #tpu.memory_space<hbm>> -> memref<128xi32, #tpu.memory_space<hbm>>
        %dma_start3A_39 = tpu.memref_slice %arg5[%multiple_of3A_33] : memref<320000xi32, #tpu.memory_space<hbm>> -> memref<128xi32, #tpu.memory_space<hbm>>
        tpu.enqueue_dma source(%dma_start3A_39 : memref<128xi32, #tpu.memory_space<hbm>>) target(%arg9 : memref<128xi32, #tpu.memory_space<vmem>>) target_semaphore(%run_scoped3A : memref<!tpu.dma_semaphore, #tpu.memory_space<semaphore_mem>>)
        %dma_wait3A_40 = tpu.memref_slice %arg5[%multiple_of3A_33] : memref<320000xi32, #tpu.memory_space<hbm>> -> memref<128xi32, #tpu.memory_space<hbm>>
        %dma_wait3A_41 = tpu.memref_slice %arg5[%multiple_of3A_33] : memref<320000xi32, #tpu.memory_space<hbm>> -> memref<128xi32, #tpu.memory_space<hbm>>
        tpu.wait_dma2 semaphore(%run_scoped3A : memref<!tpu.dma_semaphore, #tpu.memory_space<semaphore_mem>>) src(%dma_wait3A_41 : memref<128xi32, #tpu.memory_space<hbm>>) dst(%arg9 : memref<128xi32, #tpu.memory_space<vmem>>)
        tpu.yield
      }) : () -> ()
      %dma_start3A = arith.constant 0 : i32
      %dma_start3A_34 = arith.constant 0 : i32
      %dma_start3A_35 = tpu.memref_slice %arg2[%dma_start3A, %dma_start3A_34] : memref<10000x128xf32, #tpu.memory_space<hbm>> -> memref<10000x128xf32, #tpu.memory_space<hbm>>
      tpu.enqueue_indirect_dma source(%dma_start3A_35 : memref<10000x128xf32, #tpu.memory_space<hbm>>) target(%arg10 : memref<128x128xf32, #tpu.memory_space<vmem>>) offsets(%arg8 : memref<128xi32, #tpu.memory_space<vmem>>) semaphore(%arg11 : memref<!tpu.dma_semaphore, #tpu.memory_space<semaphore_mem>>)
      %dma_wait3A = arith.constant 0 : i32
      %dma_wait3A_36 = arith.constant 0 : i32
      %dma_wait3A_37 = tpu.memref_slice %arg2[%dma_wait3A, %dma_wait3A_36] : memref<10000x128xf32, #tpu.memory_space<hbm>> -> memref<10000x128xf32, #tpu.memory_space<hbm>>
      tpu.wait_indirect_dma semaphore(%arg11 : memref<!tpu.dma_semaphore, #tpu.memory_space<semaphore_mem>>) src(%dma_wait3A_37 : memref<10000x128xf32, #tpu.memory_space<hbm>>) dst(%arg10 : memref<128x128xf32, #tpu.memory_space<vmem>>)
      "tpu.region"() ({
        %run_scoped3A = tpu.sem_alloc : memref<!tpu.dma_semaphore, #tpu.memory_space<semaphore_mem>>
        %dma_start3A_38 = arith.constant 0 : i32
        %dma_start3A_39 = arith.constant 0 : i32
        %dma_start3A_40 = tpu.memref_slice %arg7[%dma_start3A_38, %dma_start3A_39] : memref<10000x128xf32, #tpu.memory_space<vmem_shared>> -> memref<10000x128xf32, #tpu.memory_space<vmem_shared>>
        tpu.enqueue_indirect_dma source(%arg10 : memref<128x128xf32, #tpu.memory_space<vmem>>) target(%dma_start3A_40 : memref<10000x128xf32, #tpu.memory_space<vmem_shared>>) offsets(%arg9 : memref<128xi32, #tpu.memory_space<vmem>>) semaphore(%run_scoped3A : memref<!tpu.dma_semaphore, #tpu.memory_space<semaphore_mem>>) {add = true}
        %dma_wait3A_41 = arith.constant 0 : i32
        %dma_wait3A_42 = arith.constant 0 : i32
        %dma_wait3A_43 = tpu.memref_slice %arg7[%dma_wait3A_41, %dma_wait3A_42] : memref<10000x128xf32, #tpu.memory_space<vmem_shared>> -> memref<10000x128xf32, #tpu.memory_space<vmem_shared>>
        tpu.wait_indirect_dma semaphore(%run_scoped3A : memref<!tpu.dma_semaphore, #tpu.memory_space<semaphore_mem>>) src(%arg10 : memref<128x128xf32, #tpu.memory_space<vmem>>) dst(%dma_wait3A_43 : memref<10000x128xf32, #tpu.memory_space<vmem_shared>>)
        tpu.yield
      }) : () -> ()
    }
    %while3A_27 = arith.constant 1 : i32
    scf.for %while3A_29 = %while3A_25 to %while3A_21 step %while3A_27  : i32 {
      %add3A_30 = arith.addi %add3A_18, %while3A_29 : i32
      %mul3A_31 = arith.constant 128 : i32
      %mul3A_32 = arith.muli %add3A_30, %mul3A_31 : i32
      %multiple_of3A_33 = tpu.assume_multiple %mul3A_32, 128 : i32
      "tpu.region"() ({
        %run_scoped3A = tpu.sem_alloc : memref<!tpu.dma_semaphore, #tpu.memory_space<semaphore_mem>>
        %dma_start3A_38 = tpu.memref_slice %arg4[%multiple_of3A_33] : memref<320000xi32, #tpu.memory_space<hbm>> -> memref<128xi32, #tpu.memory_space<hbm>>
        %dma_start3A_39 = tpu.memref_slice %arg4[%multiple_of3A_33] : memref<320000xi32, #tpu.memory_space<hbm>> -> memref<128xi32, #tpu.memory_space<hbm>>
        tpu.enqueue_dma source(%dma_start3A_39 : memref<128xi32, #tpu.memory_space<hbm>>) target(%arg8 : memref<128xi32, #tpu.memory_space<vmem>>) target_semaphore(%run_scoped3A : memref<!tpu.dma_semaphore, #tpu.memory_space<semaphore_mem>>)
        %dma_wait3A_40 = tpu.memref_slice %arg4[%multiple_of3A_33] : memref<320000xi32, #tpu.memory_space<hbm>> -> memref<128xi32, #tpu.memory_space<hbm>>
        %dma_wait3A_41 = tpu.memref_slice %arg4[%multiple_of3A_33] : memref<320000xi32, #tpu.memory_space<hbm>> -> memref<128xi32, #tpu.memory_space<hbm>>
        tpu.wait_dma2 semaphore(%run_scoped3A : memref<!tpu.dma_semaphore, #tpu.memory_space<semaphore_mem>>) src(%dma_wait3A_41 : memref<128xi32, #tpu.memory_space<hbm>>) dst(%arg8 : memref<128xi32, #tpu.memory_space<vmem>>)
        tpu.yield
      }) : () -> ()
      "tpu.region"() ({
        %run_scoped3A = tpu.sem_alloc : memref<!tpu.dma_semaphore, #tpu.memory_space<semaphore_mem>>
        %dma_start3A_38 = tpu.memref_slice %arg5[%multiple_of3A_33] : memref<320000xi32, #tpu.memory_space<hbm>> -> memref<128xi32, #tpu.memory_space<hbm>>
        %dma_start3A_39 = tpu.memref_slice %arg5[%multiple_of3A_33] : memref<320000xi32, #tpu.memory_space<hbm>> -> memref<128xi32, #tpu.memory_space<hbm>>
        tpu.enqueue_dma source(%dma_start3A_39 : memref<128xi32, #tpu.memory_space<hbm>>) target(%arg9 : memref<128xi32, #tpu.memory_space<vmem>>) target_semaphore(%run_scoped3A : memref<!tpu.dma_semaphore, #tpu.memory_space<semaphore_mem>>)
        %dma_wait3A_40 = tpu.memref_slice %arg5[%multiple_of3A_33] : memref<320000xi32, #tpu.memory_space<hbm>> -> memref<128xi32, #tpu.memory_space<hbm>>
        %dma_wait3A_41 = tpu.memref_slice %arg5[%multiple_of3A_33] : memref<320000xi32, #tpu.memory_space<hbm>> -> memref<128xi32, #tpu.memory_space<hbm>>
        tpu.wait_dma2 semaphore(%run_scoped3A : memref<!tpu.dma_semaphore, #tpu.memory_space<semaphore_mem>>) src(%dma_wait3A_41 : memref<128xi32, #tpu.memory_space<hbm>>) dst(%arg9 : memref<128xi32, #tpu.memory_space<vmem>>)
        tpu.yield
      }) : () -> ()
      %dma_start3A = arith.constant 0 : i32
      %dma_start3A_34 = arith.constant 0 : i32
      %dma_start3A_35 = tpu.memref_slice %arg2[%dma_start3A, %dma_start3A_34] : memref<10000x128xf32, #tpu.memory_space<hbm>> -> memref<10000x128xf32, #tpu.memory_space<hbm>>
      tpu.enqueue_indirect_dma source(%dma_start3A_35 : memref<10000x128xf32, #tpu.memory_space<hbm>>) target(%arg10 : memref<128x128xf32, #tpu.memory_space<vmem>>) offsets(%arg8 : memref<128xi32, #tpu.memory_space<vmem>>) semaphore(%arg11 : memref<!tpu.dma_semaphore, #tpu.memory_space<semaphore_mem>>)
      %dma_wait3A = arith.constant 0 : i32
      %dma_wait3A_36 = arith.constant 0 : i32
      %dma_wait3A_37 = tpu.memref_slice %arg2[%dma_wait3A, %dma_wait3A_36] : memref<10000x128xf32, #tpu.memory_space<hbm>> -> memref<10000x128xf32, #tpu.memory_space<hbm>>
      tpu.wait_indirect_dma semaphore(%arg11 : memref<!tpu.dma_semaphore, #tpu.memory_space<semaphore_mem>>) src(%dma_wait3A_37 : memref<10000x128xf32, #tpu.memory_space<hbm>>) dst(%arg10 : memref<128x128xf32, #tpu.memory_space<vmem>>)
      "tpu.region"() ({
        %run_scoped3A = tpu.sem_alloc : memref<!tpu.dma_semaphore, #tpu.memory_space<semaphore_mem>>
        %dma_start3A_38 = arith.constant 0 : i32
        %dma_start3A_39 = arith.constant 0 : i32
        %dma_start3A_40 = tpu.memref_slice %arg7[%dma_start3A_38, %dma_start3A_39] : memref<10000x128xf32, #tpu.memory_space<vmem_shared>> -> memref<10000x128xf32, #tpu.memory_space<vmem_shared>>
        tpu.enqueue_indirect_dma source(%arg10 : memref<128x128xf32, #tpu.memory_space<vmem>>) target(%dma_start3A_40 : memref<10000x128xf32, #tpu.memory_space<vmem_shared>>) offsets(%arg9 : memref<128xi32, #tpu.memory_space<vmem>>) semaphore(%run_scoped3A : memref<!tpu.dma_semaphore, #tpu.memory_space<semaphore_mem>>) {add = true}
        %dma_wait3A_41 = arith.constant 0 : i32
        %dma_wait3A_42 = arith.constant 0 : i32
        %dma_wait3A_43 = tpu.memref_slice %arg7[%dma_wait3A_41, %dma_wait3A_42] : memref<10000x128xf32, #tpu.memory_space<vmem_shared>> -> memref<10000x128xf32, #tpu.memory_space<vmem_shared>>
        tpu.wait_indirect_dma semaphore(%run_scoped3A : memref<!tpu.dma_semaphore, #tpu.memory_space<semaphore_mem>>) src(%arg10 : memref<128x128xf32, #tpu.memory_space<vmem>>) dst(%dma_wait3A_43 : memref<10000x128xf32, #tpu.memory_space<vmem_shared>>)
        tpu.yield
      }) : () -> ()
    }
    %barrier3A_28 = arith.constant 0 : index
    tpu.barrier barrier_id(%barrier3A_28)
    "tpu.region"() ({
      %run_scoped3A = tpu.sem_alloc : memref<!tpu.dma_semaphore, #tpu.memory_space<semaphore_mem>>
      %dma_start3A = arith.constant 0 : i32
      %dma_start3A_29 = tpu.memref_slice %arg6[%arg0, %multiple_of3A, %dma_start3A] : memref<2x10000x128xf32, #tpu.memory_space<hbm>> -> memref<1x632x128xf32, #tpu.memory_space<hbm>>
      %dma_start3A_30 = tpu.memref_squeeze %dma_start3A_29 : memref<1x632x128xf32, #tpu.memory_space<hbm>> -> memref<632x128xf32, #tpu.memory_space<hbm>>
      %dma_start3A_31 = arith.constant 0 : i32
      %dma_start3A_32 = tpu.memref_slice %arg7[%multiple_of3A, %dma_start3A_31] : memref<10000x128xf32, #tpu.memory_space<vmem_shared>> -> memref<632x128xf32, #tpu.memory_space<vmem_shared>>
      tpu.enqueue_dma source(%dma_start3A_32 : memref<632x128xf32, #tpu.memory_space<vmem_shared>>) target(%dma_start3A_30 : memref<632x128xf32, #tpu.memory_space<hbm>>) target_semaphore(%run_scoped3A : memref<!tpu.dma_semaphore, #tpu.memory_space<semaphore_mem>>)
      %dma_wait3A = arith.constant 0 : i32
      %dma_wait3A_33 = tpu.memref_slice %arg6[%arg0, %multiple_of3A, %dma_wait3A] : memref<2x10000x128xf32, #tpu.memory_space<hbm>> -> memref<1x632x128xf32, #tpu.memory_space<hbm>>
      %dma_wait3A_34 = tpu.memref_squeeze %dma_wait3A_33 : memref<1x632x128xf32, #tpu.memory_space<hbm>> -> memref<632x128xf32, #tpu.memory_space<hbm>>
      %dma_wait3A_35 = arith.constant 0 : i32
      %dma_wait3A_36 = tpu.memref_slice %arg7[%multiple_of3A, %dma_wait3A_35] : memref<10000x128xf32, #tpu.memory_space<vmem_shared>> -> memref<632x128xf32, #tpu.memory_space<vmem_shared>>
      tpu.wait_dma2 semaphore(%run_scoped3A : memref<!tpu.dma_semaphore, #tpu.memory_space<semaphore_mem>>) src(%dma_wait3A_36 : memref<632x128xf32, #tpu.memory_space<vmem_shared>>) dst(%dma_wait3A_34 : memref<632x128xf32, #tpu.memory_space<hbm>>)
      tpu.yield
    }) : () -> ()
    return
  }
}

module attributes {stable_mosaic.version = 14 : i64} {
  func.func @_tc_mlp_body(%arg0: i32, %arg1: memref<1000x128xf32, #tpu.memory_space<vmem>>, %arg2: memref<1000x128xf32, #tpu.memory_space<vmem>>, %arg3: memref<128x128xf32, #tpu.memory_space<vmem>>, %arg4: memref<1x128xf32, #tpu.memory_space<vmem>>, %arg5: memref<128x128xf32, #tpu.memory_space<vmem>>, %arg6: memref<1x128xf32, #tpu.memory_space<vmem>>, %arg7: memref<1x128xf32, #tpu.memory_space<vmem>>, %arg8: memref<1x128xf32, #tpu.memory_space<vmem>>, %arg9: memref<1000x128xf32, #tpu.memory_space<vmem>>) attributes {dimension_semantics = [#tpu.dimension_semantics<arbitrary>], iteration_bounds = array<i64: 10>, scalar_prefetch = 0 : i64, scratch_operands = 0 : i64, tpu.core_type = #tpu.core_type<tc>, window_params = [{transform_indices = @transform_0, window_bounds = array<i64: 1000, 128>}, {transform_indices = @transform_1, window_bounds = array<i64: 1000, 128>}, {pipeline_mode = #tpu.pipeline_mode<synchronous>, transform_indices = @transform_2, window_bounds = array<i64: 128, 128>}, {pipeline_mode = #tpu.pipeline_mode<synchronous>, transform_indices = @transform_3, window_bounds = array<i64: 1, 128>}, {pipeline_mode = #tpu.pipeline_mode<synchronous>, transform_indices = @transform_4, window_bounds = array<i64: 128, 128>}, {pipeline_mode = #tpu.pipeline_mode<synchronous>, transform_indices = @transform_5, window_bounds = array<i64: 1, 128>}, {pipeline_mode = #tpu.pipeline_mode<synchronous>, transform_indices = @transform_6, window_bounds = array<i64: 1, 128>}, {pipeline_mode = #tpu.pipeline_mode<synchronous>, transform_indices = @transform_7, window_bounds = array<i64: 1, 128>}, {transform_indices = @transform_8, window_bounds = array<i64: 1000, 128>}]} {
    %get3A = arith.constant 0 : index
    %get3A_0 = arith.constant 0 : index
    %get3A_1 = vector.load %arg1[%get3A, %get3A_0] : memref<1000x128xf32, #tpu.memory_space<vmem>>, vector<1000x128xf32>
    %get3A_2 = arith.constant 0 : index
    %get3A_3 = arith.constant 0 : index
    %get3A_4 = vector.load %arg2[%get3A_2, %get3A_3] : memref<1000x128xf32, #tpu.memory_space<vmem>>, vector<1000x128xf32>
    %add3A = arith.addf %get3A_1, %get3A_4 : vector<1000x128xf32>
    %get3A_5 = arith.constant 0 : index
    %get3A_6 = arith.constant 0 : index
    %get3A_7 = vector.load %arg3[%get3A_5, %get3A_6] : memref<128x128xf32, #tpu.memory_space<vmem>>, vector<128x128xf32>
    %dot_general3A = arith.constant dense<0.000000e+00> : vector<1000x128xf32>
    %dot_general3A_8 = tpu.matmul %add3A, %get3A_7, %dot_general3A {dimension_numbers = #tpu.dot_dimension_numbers<[1], [0], [0], [1], [0, 0, 1, 1], [], []>, transpose_lhs_hint = false} : vector<1000x128xf32>, vector<128x128xf32>, vector<1000x128xf32> -> vector<1000x128xf32>
    %get3A_9 = arith.constant 0 : index
    %get3A_10 = arith.constant 0 : index
    %get3A_11 = vector.load %arg4[%get3A_9, %get3A_10] : memref<1x128xf32, #tpu.memory_space<vmem>>, vector<1x128xf32>
    %add3A_12 = vector.broadcast %get3A_11 : vector<1x128xf32> to vector<1000x128xf32>
    %add3A_13 = arith.addf %dot_general3A_8, %add3A_12 : vector<1000x128xf32>
    %max3A = arith.constant 0.000000e+00 : f32
    %max3A_14 = vector.broadcast %max3A : f32 to vector<1000x128xf32>
    %max3A_15 = arith.maximumf %add3A_13, %max3A_14 : vector<1000x128xf32>
    %get3A_16 = arith.constant 0 : index
    %get3A_17 = arith.constant 0 : index
    %get3A_18 = vector.load %arg5[%get3A_16, %get3A_17] : memref<128x128xf32, #tpu.memory_space<vmem>>, vector<128x128xf32>
    %dot_general3A_19 = arith.constant dense<0.000000e+00> : vector<1000x128xf32>
    %dot_general3A_20 = tpu.matmul %max3A_15, %get3A_18, %dot_general3A_19 {dimension_numbers = #tpu.dot_dimension_numbers<[1], [0], [0], [1], [0, 0, 1, 1], [], []>, transpose_lhs_hint = false} : vector<1000x128xf32>, vector<128x128xf32>, vector<1000x128xf32> -> vector<1000x128xf32>
    %get3A_21 = arith.constant 0 : index
    %get3A_22 = arith.constant 0 : index
    %get3A_23 = vector.load %arg6[%get3A_21, %get3A_22] : memref<1x128xf32, #tpu.memory_space<vmem>>, vector<1x128xf32>
    %add3A_24 = vector.broadcast %get3A_23 : vector<1x128xf32> to vector<1000x128xf32>
    %add3A_25 = arith.addf %dot_general3A_20, %add3A_24 : vector<1000x128xf32>
    %get3A_26 = arith.constant 0 : index
    %get3A_27 = arith.constant 0 : index
    %get3A_28 = vector.load %arg7[%get3A_26, %get3A_27] : memref<1x128xf32, #tpu.memory_space<vmem>>, vector<1x128xf32>
    %mul3A = vector.broadcast %get3A_28 : vector<1x128xf32> to vector<1000x128xf32>
    %mul3A_29 = arith.mulf %add3A_25, %mul3A : vector<1000x128xf32>
    %get3A_30 = arith.constant 0 : index
    %get3A_31 = arith.constant 0 : index
    %get3A_32 = vector.load %arg8[%get3A_30, %get3A_31] : memref<1x128xf32, #tpu.memory_space<vmem>>, vector<1x128xf32>
    %add3A_33 = vector.broadcast %get3A_32 : vector<1x128xf32> to vector<1000x128xf32>
    %add3A_34 = arith.addf %mul3A_29, %add3A_33 : vector<1000x128xf32>
    %max3A_35 = arith.constant 0.000000e+00 : f32
    %max3A_36 = vector.broadcast %max3A_35 : f32 to vector<1000x128xf32>
    %max3A_37 = arith.maximumf %add3A_34, %max3A_36 : vector<1000x128xf32>
    %swap3A = arith.constant 0 : index
    %swap3A_38 = arith.constant 0 : index
    %swap3A_39 = vector.load %arg9[%swap3A, %swap3A_38] : memref<1000x128xf32, #tpu.memory_space<vmem>>, vector<1000x128xf32>
    tpu.vector_store %arg9[%swap3A, %swap3A_38], %max3A_37 {strides = array<i32>} : memref<1000x128xf32, #tpu.memory_space<vmem>>, vector<1000x128xf32>,
    return
  }
  func.func @transform_0(%arg0: i32) -> (i32, i32) {
    %c0_i32 = arith.constant 0 : i32
    %c0_i32_0 = arith.constant 0 : i32
    return %arg0, %c0_i32 : i32, i32
  }
  func.func @transform_1(%arg0: i32) -> (i32, i32) {
    %c0_i32 = arith.constant 0 : i32
    %c0_i32_0 = arith.constant 0 : i32
    return %arg0, %c0_i32 : i32, i32
  }
  func.func @transform_2(%arg0: i32) -> (i32, i32) {
    %c0_i32 = arith.constant 0 : i32
    %c0_i32_0 = arith.constant 0 : i32
    %c0_i32_1 = arith.constant 0 : i32
    return %c0_i32, %c0_i32_0 : i32, i32
  }
  func.func @transform_3(%arg0: i32) -> (i32, i32) {
    %c0_i32 = arith.constant 0 : i32
    %c0_i32_0 = arith.constant 0 : i32
    %c0_i32_1 = arith.constant 0 : i32
    return %c0_i32, %c0_i32_0 : i32, i32
  }
  func.func @transform_4(%arg0: i32) -> (i32, i32) {
    %c0_i32 = arith.constant 0 : i32
    %c0_i32_0 = arith.constant 0 : i32
    %c0_i32_1 = arith.constant 0 : i32
    return %c0_i32, %c0_i32_0 : i32, i32
  }
  func.func @transform_5(%arg0: i32) -> (i32, i32) {
    %c0_i32 = arith.constant 0 : i32
    %c0_i32_0 = arith.constant 0 : i32
    %c0_i32_1 = arith.constant 0 : i32
    return %c0_i32, %c0_i32_0 : i32, i32
  }
  func.func @transform_6(%arg0: i32) -> (i32, i32) {
    %c0_i32 = arith.constant 0 : i32
    %c0_i32_0 = arith.constant 0 : i32
    %c0_i32_1 = arith.constant 0 : i32
    return %c0_i32, %c0_i32_0 : i32, i32
  }
  func.func @transform_7(%arg0: i32) -> (i32, i32) {
    %c0_i32 = arith.constant 0 : i32
    %c0_i32_0 = arith.constant 0 : i32
    %c0_i32_1 = arith.constant 0 : i32
    return %c0_i32, %c0_i32_0 : i32, i32
  }
  func.func @transform_8(%arg0: i32) -> (i32, i32) {
    %c0_i32 = arith.constant 0 : i32
    %c0_i32_0 = arith.constant 0 : i32
    return %arg0, %c0_i32 : i32, i32
  }
}

module attributes {stable_mosaic.version = 14 : i64} {
  func.func @_tc_mlp_body(%arg0: i32, %arg1: memref<1000x128xf32, #tpu.memory_space<vmem>>, %arg2: memref<1000x128xf32, #tpu.memory_space<vmem>>, %arg3: memref<128x128xf32, #tpu.memory_space<vmem>>, %arg4: memref<1x128xf32, #tpu.memory_space<vmem>>, %arg5: memref<128x128xf32, #tpu.memory_space<vmem>>, %arg6: memref<1x128xf32, #tpu.memory_space<vmem>>, %arg7: memref<1x128xf32, #tpu.memory_space<vmem>>, %arg8: memref<1x128xf32, #tpu.memory_space<vmem>>, %arg9: memref<1000x128xf32, #tpu.memory_space<vmem>>) attributes {dimension_semantics = [#tpu.dimension_semantics<arbitrary>], iteration_bounds = array<i64: 10>, scalar_prefetch = 0 : i64, scratch_operands = 0 : i64, tpu.core_type = #tpu.core_type<tc>, window_params = [{transform_indices = @transform_0, window_bounds = array<i64: 1000, 128>}, {transform_indices = @transform_1, window_bounds = array<i64: 1000, 128>}, {pipeline_mode = #tpu.pipeline_mode<synchronous>, transform_indices = @transform_2, window_bounds = array<i64: 128, 128>}, {pipeline_mode = #tpu.pipeline_mode<synchronous>, transform_indices = @transform_3, window_bounds = array<i64: 1, 128>}, {pipeline_mode = #tpu.pipeline_mode<synchronous>, transform_indices = @transform_4, window_bounds = array<i64: 128, 128>}, {pipeline_mode = #tpu.pipeline_mode<synchronous>, transform_indices = @transform_5, window_bounds = array<i64: 1, 128>}, {pipeline_mode = #tpu.pipeline_mode<synchronous>, transform_indices = @transform_6, window_bounds = array<i64: 1, 128>}, {pipeline_mode = #tpu.pipeline_mode<synchronous>, transform_indices = @transform_7, window_bounds = array<i64: 1, 128>}, {transform_indices = @transform_8, window_bounds = array<i64: 1000, 128>}]} {
    %get3A = arith.constant 0 : index
    %get3A_0 = arith.constant 0 : index
    %get3A_1 = vector.load %arg1[%get3A, %get3A_0] : memref<1000x128xf32, #tpu.memory_space<vmem>>, vector<1000x128xf32>
    %get3A_2 = arith.constant 0 : index
    %get3A_3 = arith.constant 0 : index
    %get3A_4 = vector.load %arg2[%get3A_2, %get3A_3] : memref<1000x128xf32, #tpu.memory_space<vmem>>, vector<1000x128xf32>
    %add3A = arith.addf %get3A_1, %get3A_4 : vector<1000x128xf32>
    %get3A_5 = arith.constant 0 : index
    %get3A_6 = arith.constant 0 : index
    %get3A_7 = vector.load %arg3[%get3A_5, %get3A_6] : memref<128x128xf32, #tpu.memory_space<vmem>>, vector<128x128xf32>
    %dot_general3A = arith.constant dense<0.000000e+00> : vector<1000x128xf32>
    %dot_general3A_8 = tpu.matmul %add3A, %get3A_7, %dot_general3A {dimension_numbers = #tpu.dot_dimension_numbers<[1], [0], [0], [1], [0, 0, 1, 1], [], []>, transpose_lhs_hint = false} : vector<1000x128xf32>, vector<128x128xf32>, vector<1000x128xf32> -> vector<1000x128xf32>
    %get3A_9 = arith.constant 0 : index
    %get3A_10 = arith.constant 0 : index
    %get3A_11 = vector.load %arg4[%get3A_9, %get3A_10] : memref<1x128xf32, #tpu.memory_space<vmem>>, vector<1x128xf32>
    %add3A_12 = vector.broadcast %get3A_11 : vector<1x128xf32> to vector<1000x128xf32>
    %add3A_13 = arith.addf %dot_general3A_8, %add3A_12 : vector<1000x128xf32>
    %max3A = arith.constant 0.000000e+00 : f32
    %max3A_14 = vector.broadcast %max3A : f32 to vector<1000x128xf32>
    %max3A_15 = arith.maximumf %add3A_13, %max3A_14 : vector<1000x128xf32>
    %get3A_16 = arith.constant 0 : index
    %get3A_17 = arith.constant 0 : index
    %get3A_18 = vector.load %arg5[%get3A_16, %get3A_17] : memref<128x128xf32, #tpu.memory_space<vmem>>, vector<128x128xf32>
    %dot_general3A_19 = arith.constant dense<0.000000e+00> : vector<1000x128xf32>
    %dot_general3A_20 = tpu.matmul %max3A_15, %get3A_18, %dot_general3A_19 {dimension_numbers = #tpu.dot_dimension_numbers<[1], [0], [0], [1], [0, 0, 1, 1], [], []>, transpose_lhs_hint = false} : vector<1000x128xf32>, vector<128x128xf32>, vector<1000x128xf32> -> vector<1000x128xf32>
    %get3A_21 = arith.constant 0 : index
    %get3A_22 = arith.constant 0 : index
    %get3A_23 = vector.load %arg6[%get3A_21, %get3A_22] : memref<1x128xf32, #tpu.memory_space<vmem>>, vector<1x128xf32>
    %add3A_24 = vector.broadcast %get3A_23 : vector<1x128xf32> to vector<1000x128xf32>
    %add3A_25 = arith.addf %dot_general3A_20, %add3A_24 : vector<1000x128xf32>
    %get3A_26 = arith.constant 0 : index
    %get3A_27 = arith.constant 0 : index
    %get3A_28 = vector.load %arg7[%get3A_26, %get3A_27] : memref<1x128xf32, #tpu.memory_space<vmem>>, vector<1x128xf32>
    %mul3A = vector.broadcast %get3A_28 : vector<1x128xf32> to vector<1000x128xf32>
    %mul3A_29 = arith.mulf %add3A_25, %mul3A : vector<1000x128xf32>
    %get3A_30 = arith.constant 0 : index
    %get3A_31 = arith.constant 0 : index
    %get3A_32 = vector.load %arg8[%get3A_30, %get3A_31] : memref<1x128xf32, #tpu.memory_space<vmem>>, vector<1x128xf32>
    %add3A_33 = vector.broadcast %get3A_32 : vector<1x128xf32> to vector<1000x128xf32>
    %add3A_34 = arith.addf %mul3A_29, %add3A_33 : vector<1000x128xf32>
    %max3A_35 = arith.constant 0.000000e+00 : f32
    %max3A_36 = vector.broadcast %max3A_35 : f32 to vector<1000x128xf32>
    %max3A_37 = arith.maximumf %add3A_34, %max3A_36 : vector<1000x128xf32>
    %swap3A = arith.constant 0 : index
    %swap3A_38 = arith.constant 0 : index
    %swap3A_39 = vector.load %arg9[%swap3A, %swap3A_38] : memref<1000x128xf32, #tpu.memory_space<vmem>>, vector<1000x128xf32>
    tpu.vector_store %arg9[%swap3A, %swap3A_38], %max3A_37 {strides = array<i32>} : memref<1000x128xf32, #tpu.memory_space<vmem>>, vector<1000x128xf32>,
    return
  }
  func.func @transform_0(%arg0: i32) -> (i32, i32) {
    %c0_i32 = arith.constant 0 : i32
    %c0_i32_0 = arith.constant 0 : i32
    return %arg0, %c0_i32 : i32, i32
  }
  func.func @transform_1(%arg0: i32) -> (i32, i32) {
    %c0_i32 = arith.constant 0 : i32
    %c0_i32_0 = arith.constant 0 : i32
    return %arg0, %c0_i32 : i32, i32
  }
  func.func @transform_2(%arg0: i32) -> (i32, i32) {
    %c0_i32 = arith.constant 0 : i32
    %c0_i32_0 = arith.constant 0 : i32
    %c0_i32_1 = arith.constant 0 : i32
    return %c0_i32, %c0_i32_0 : i32, i32
  }
  func.func @transform_3(%arg0: i32) -> (i32, i32) {
    %c0_i32 = arith.constant 0 : i32
    %c0_i32_0 = arith.constant 0 : i32
    %c0_i32_1 = arith.constant 0 : i32
    return %c0_i32, %c0_i32_0 : i32, i32
  }
  func.func @transform_4(%arg0: i32) -> (i32, i32) {
    %c0_i32 = arith.constant 0 : i32
    %c0_i32_0 = arith.constant 0 : i32
    %c0_i32_1 = arith.constant 0 : i32
    return %c0_i32, %c0_i32_0 : i32, i32
  }
  func.func @transform_5(%arg0: i32) -> (i32, i32) {
    %c0_i32 = arith.constant 0 : i32
    %c0_i32_0 = arith.constant 0 : i32
    %c0_i32_1 = arith.constant 0 : i32
    return %c0_i32, %c0_i32_0 : i32, i32
  }
  func.func @transform_6(%arg0: i32) -> (i32, i32) {
    %c0_i32 = arith.constant 0 : i32
    %c0_i32_0 = arith.constant 0 : i32
    %c0_i32_1 = arith.constant 0 : i32
    return %c0_i32, %c0_i32_0 : i32, i32
  }
  func.func @transform_7(%arg0: i32) -> (i32, i32) {
    %c0_i32 = arith.constant 0 : i32
    %c0_i32_0 = arith.constant 0 : i32
    %c0_i32_1 = arith.constant 0 : i32
    return %c0_i32, %c0_i32_0 : i32, i32
  }
  func.func @transform_8(%arg0: i32) -> (i32, i32) {
    %c0_i32 = arith.constant 0 : i32
    %c0_i32_0 = arith.constant 0 : i32
    return %arg0, %c0_i32 : i32, i32
  }
}

module attributes {stable_mosaic.version = 14 : i64} {
  func.func @_tc_pool_body(%arg0: i32, %arg1: memref<1x1x1000xi32, #tpu.memory_space<vmem>>, %arg2: memref<1000x128xf32, #tpu.memory_space<vmem>>, %arg3: memref<128x128xf32, #tpu.memory_space<vmem>>) attributes {dimension_semantics = [#tpu.dimension_semantics<arbitrary>], iteration_bounds = array<i64: 10>, scalar_prefetch = 0 : i64, scratch_operands = 0 : i64, tpu.core_type = #tpu.core_type<tc>, window_params = [{transform_indices = @transform_0, window_bounds = array<i64: 1, 1, 1000>}, {transform_indices = @transform_1, window_bounds = array<i64: 1000, 128>}, {pipeline_mode = #tpu.pipeline_mode<synchronous>, transform_indices = @transform_2, window_bounds = array<i64: 128, 128>}]} {
    %eq3A = arith.constant 0 : i32
    %eq3A_0 = arith.cmpi eq, %arg0, %eq3A : i32
    %convert_element_type3A = arith.extui %eq3A_0 : i1 to i32
    %cond3A = arith.constant 0 : i32
    %cond3A_1 = arith.cmpi ne, %convert_element_type3A, %cond3A : i32
    scf.if %cond3A_1 {
      %broadcast_in_dim3A = arith.constant 0.000000e+00 : f32
      %broadcast_in_dim3A_19 = vector.broadcast %broadcast_in_dim3A : f32 to vector<128x128xf32>
      %swap3A_20 = arith.constant 0 : index
      %swap3A_21 = arith.constant 0 : index
      %swap3A_22 = vector.load %arg3[%swap3A_20, %swap3A_21] : memref<128x128xf32, #tpu.memory_space<vmem>>, vector<128x128xf32>
      tpu.vector_store %arg3[%swap3A_20, %swap3A_21], %broadcast_in_dim3A_19 {strides = array<i32>} : memref<128x128xf32, #tpu.memory_space<vmem>>, vector<128x128xf32>,
    } else {
    }
    %iota3A = tpu.iota {dimensions = array<i32: 0>} : vector<128x1000xi32>
    %get3A = arith.constant 0 : index
    %get3A_2 = arith.constant 0 : index
    %get3A_3 = arith.constant 0 : index
    %get3A_4 = vector.load %arg1[%get3A, %get3A_2, %get3A_3] : memref<1x1x1000xi32, #tpu.memory_space<vmem>>, vector<1x1x1000xi32>
    %get3A_5 = vector.shape_cast %get3A_4 : vector<1x1x1000xi32> to vector<1x1000xi32>
    %eq3A_6 = vector.broadcast %get3A_5 : vector<1x1000xi32> to vector<128x1000xi32>
    %eq3A_7 = arith.cmpi eq, %iota3A, %eq3A_6 : vector<128x1000xi32>
    %convert_element_type3A_8 = arith.extui %eq3A_7 : vector<128x1000xi1> to vector<128x1000xi32>
    %convert_element_type3A_9 = arith.sitofp %convert_element_type3A_8 : vector<128x1000xi32> to vector<128x1000xf32>
    %get3A_10 = arith.constant 0 : index
    %get3A_11 = arith.constant 0 : index
    %get3A_12 = vector.load %arg3[%get3A_10, %get3A_11] : memref<128x128xf32, #tpu.memory_space<vmem>>, vector<128x128xf32>
    %get3A_13 = arith.constant 0 : index
    %get3A_14 = arith.constant 0 : index
    %get3A_15 = vector.load %arg2[%get3A_13, %get3A_14] : memref<1000x128xf32, #tpu.memory_space<vmem>>, vector<1000x128xf32>
    %dot_general3A = arith.constant dense<0.000000e+00> : vector<128x128xf32>
    %dot_general3A_16 = tpu.matmul %convert_element_type3A_9, %get3A_15, %dot_general3A {dimension_numbers = #tpu.dot_dimension_numbers<[1], [0], [0], [1], [0, 0, 1, 1], [], []>, transpose_lhs_hint = false} : vector<128x1000xf32>, vector<1000x128xf32>, vector<128x128xf32> -> vector<128x128xf32>
    %add3A = arith.addf %get3A_12, %dot_general3A_16 : vector<128x128xf32>
    %swap3A = arith.constant 0 : index
    %swap3A_17 = arith.constant 0 : index
    %swap3A_18 = vector.load %arg3[%swap3A, %swap3A_17] : memref<128x128xf32, #tpu.memory_space<vmem>>, vector<128x128xf32>
    tpu.vector_store %arg3[%swap3A, %swap3A_17], %add3A {strides = array<i32>} : memref<128x128xf32, #tpu.memory_space<vmem>>, vector<128x128xf32>,
    return
  }
  func.func @transform_0(%arg0: i32) -> (i32, i32, i32) {
    %c0_i32 = arith.constant 0 : i32
    %c0_i32_0 = arith.constant 0 : i32
    %c0_i32_1 = arith.constant 0 : i32
    return %arg0, %c0_i32, %c0_i32_0 : i32, i32, i32
  }
  func.func @transform_1(%arg0: i32) -> (i32, i32) {
    %c0_i32 = arith.constant 0 : i32
    %c0_i32_0 = arith.constant 0 : i32
    return %arg0, %c0_i32 : i32, i32
  }
  func.func @transform_2(%arg0: i32) -> (i32, i32) {
    %c0_i32 = arith.constant 0 : i32
    %c0_i32_0 = arith.constant 0 : i32
    %c0_i32_1 = arith.constant 0 : i32
    return %c0_i32, %c0_i32_0 : i32, i32
  }
}

</mosaic_0001>

<sc_bundles>
// kernel: kernel.12.cloned.1.call-start
scs
__scs_entry_jumppad:
0x0: {  	(pc) =	sbr.rel $0x88, $3  }
0x1: {  	(tag) =	ssettag $0x0;
	lr =	simm.s32 $0x1  }
0x2: {  	[smem:$0x3F86] =	sst lr;
	_ =	strace $0xD0000000  }
0x3: {  	_ = 	snop  }
0x4: {  	_ = 	snop  }
0x5: {  	_ = 	snop  }
0x6: {  	_ = 	snop  }
0x7: {  	_ = 	snop  }
__scs_overlays_trampoline_lowered:
0x8: {  	[smem:$0x3F95] =	sst s0  }
0x9: {  	[smem:$0x3F96] =	sst s1  }
0xa: {  	[smem:$0x3F97] =	sst s2  }
0xb: {  	[smem:$0x3F98] =	sst s3  }
0xc: {  	[smem:$0x3F99] =	sst s4  }
0xd: {  	[smem:$0x3F9A] =	sst s5  }
0xe: {  	[smem:$0x3F9B] =	sst s6  }
0xf: {  	[smem:$0x3F9C] =	sst s7  }
0x10: {  	[smem:$0x3F9D] =	sst s8  }
0x11: {  	[smem:$0x3F9E] =	sst s9;
	s0 =	simm.s32 @!p0 $0x0  }
0x12: {  	s1 =	sld [smem:$0x3F84];
	s0 =	simm.s32 @p0 $0x1  }
0x13: {  	[smem:$0x3F9F] =	sst s0;
	s0 =	simm.s32 @!p1 $0x0  }
0x14: {  	s2 =	sld [smem:$0x3F83];
	s0 =	simm.s32 @p1 $0x1  }
0x15: {  	[smem:$0x3FA0] =	sst s0;
	s0 =	simm.s32 @!p2 $0x0  }
0x16: {  	s3 =	sld [smem:$0x3FDB];
	s0 =	simm.s32 @p2 $0x1  }
0x17: {  	s4 =	simm.s32 $0x1BF5;
	[smem:$0x3FA2] =	sst s0  }
0x18: {  	s0 =	sld [smem:$0x3F85];
	_ =	swait.ge [sflag:s4], $0x0  }
0x19: {  	s7 =	sld [smem:$0x3F86]  }
0x1a: {  	s8 =	sadd.s32 $0xFFFFE003, lr  }
0x1b: {  	s9 =	sadd.s32 $0xFFFFFEF7, lr;
	s5 =	simm.s32 $0xFFFFFFFF;
	p2 =	slt.u32 s8, $0xFFFFF086  }
0x1c: {  	p1 =	slt.u32 s9, $0xF7A;
	s5 =	simm.s32 @!p2 $0x0  }
0x1d: {  	s5 =	simm.s32 @p1 $0x1;
	p0 =	seq.s32 s7, s2  }
0x1e: {  	s7 =	smul.u32 @!p0 $0xF7A, s2;
	p2 =	seq.s32 @!p0 s5, $0x0  }
0x1f: {  	s9 =	smul.u32 $0xF7A, s1;
	s8 =	simm.s32 @!p0 $0x1BF5;
	p2 =	por !p2, p0  }
0x20: {  	[sflag:s8] =	ssyncset.s32 @!p0 $0xFFFFF086;
	s6 =	sadd.s32 @!p0 s3, s7;
	s7 =	simm.s32 @!p0 $0x108  }
0x21: {  	s3 =	sadd.s32 s3, s9;
	s6 =	sadd.s32 @!p0 $0x88, s6;
	s7 =	simm.s32 @p2 $0x1082  }
0x22: {  	[simem:s7], [sflag:s8] =	dma.local @!p0 [hbm:s6], $0xF7A  }
0x23: {  	s9 =	sor.u32 $0xD0000000, s2;
	s6 =	simm.s32 $0x108;
	_ =	swait.ge @!p0 [sflag:s8], $0x0  }
0x24: {  	s3 =	sadd.s32 $0x88, s3;
	s6 =	simm.s32 @!p1 $0x1082;
	[sflag:s4] =	ssyncset.s32 $0xFFFFF086  }
0x25: {  	[simem:s6], [sflag:s4] =	dma.local [hbm:s3], $0xF7A  }
0x26: {  	[smem:$0x3F86] =	sst s1;
	(tag) =	ssettag s2;
	_ =	strace s9  }
0x27: {  	s1 =	sld [smem:$0x3F96]  }
0x28: {  	s2 =	sld [smem:$0x3F97]  }
0x29: {  	s4 =	sld [smem:$0x3F99]  }
0x2a: {  	p0 =	seq.s32 s5, $0x0;
	s5 =	sld [smem:$0x3F9A]  }
0x2b: {  	s6 =	sld [smem:$0x3F9B]  }
0x2c: {  	s7 =	sld [smem:$0x3F9C]  }
0x2d: {  	s3 =	simm.s32 $0x108;
	s8 =	sld [smem:$0x3F9D]  }
0x2e: {  	s3 =	simm.s32 @!p0 $0x1082;
	s9 =	sld [smem:$0x3F9E]  }
0x2f: {  	lr =	sadd.s32 s0, s3;
	s0 =	sld [smem:$0x3F95]  }
0x30: {  	s3 =	sld [smem:$0x3F98]  }
0x31: {  	[smem:$0x3FA1] =	sst s10  }
0x32: {  	s10 =	sld [smem:$0x3F9F];
	_ =	sdelay $0x3  }
0x33: {  	p0 =	seq.s32 s10, $0x1;
	s10 =	sld [smem:$0x3FA1];
	_ =	sdelay $0x3  }
0x34: {  	[smem:$0x3FA1] =	sst s10  }
0x35: {  	s10 =	sld [smem:$0x3FA0];
	_ =	sdelay $0x3  }
0x36: {  	p1 =	seq.s32 s10, $0x1;
	s10 =	sld [smem:$0x3FA1];
	_ =	sdelay $0x3  }
0x37: {  	[smem:$0x3FA1] =	sst s10  }
0x38: {  	s10 =	sld [smem:$0x3FA2]  }
0x39: {  	_ = 	snop;
	(pc) =	sbr.ind lr, $3  }
0x3a: {  	_ = 	snop  }
0x3b: {  	_ = 	snop  }
0x3c: {  	p2 =	seq.s32 s10, $0x1;
	s10 =	sld [smem:$0x3FA1]  }
0x3d: {  	_ =	shalt  }
0x3e: {  	_ =	shalt  }
0x3f: {  	_ =	shalt  }
0x40: {  	_ =	shalt  }
0x41: {  	_ =	shalt  }
0x42: {  	_ =	shalt  }
0x43: {  	_ =	shalt  }
0x44: {  	_ =	shalt  }
0x45: {  	_ =	shalt  }
0x46: {  	_ =	shalt  }
0x47: {  	_ =	shalt  }
0x48: {  	_ =	shalt  }
0x49: {  	_ =	shalt  }
0x4a: {  	_ =	shalt  }
0x4b: {  	_ =	shalt  }
0x4c: {  	_ =	shalt  }
0x4d: {  	_ =	shalt  }
0x4e: {  	_ =	shalt  }
0x4f: {  	_ =	shalt  }
0x50: {  	_ =	shalt  }
0x51: {  	_ =	shalt  }
0x52: {  	_ =	shalt  }
0x53: {  	_ =	shalt  }
0x54: {  	_ =	shalt  }
0x55: {  	_ =	shalt  }
0x56: {  	_ =	shalt  }
0x57: {  	_ =	shalt  }
0x58: {  	_ =	shalt  }
0x59: {  	_ =	shalt  }
0x5a: {  	_ =	shalt  }
0x5b: {  	_ =	shalt  }
0x5c: {  	_ =	shalt  }
0x5d: {  	_ =	shalt  }
0x5e: {  	_ =	shalt  }
0x5f: {  	_ =	shalt  }
0x60: {  	_ =	shalt  }
0x61: {  	_ =	shalt  }
0x62: {  	_ =	shalt  }
0x63: {  	_ =	shalt  }
0x64: {  	_ =	shalt  }
0x65: {  	_ =	shalt  }
0x66: {  	_ =	shalt  }
0x67: {  	_ =	shalt  }
0x68: {  	_ =	shalt  }
0x69: {  	_ =	shalt  }
0x6a: {  	_ =	shalt  }
0x6b: {  	_ =	shalt  }
0x6c: {  	_ =	shalt  }
0x6d: {  	_ =	shalt  }
0x6e: {  	_ =	shalt  }
0x6f: {  	_ =	shalt  }
0x70: {  	_ =	shalt  }
0x71: {  	_ =	shalt  }
0x72: {  	_ =	shalt  }
0x73: {  	_ =	shalt  }
0x74: {  	_ =	shalt  }
0x75: {  	_ =	shalt  }
0x76: {  	_ =	shalt  }
0x77: {  	_ =	shalt  }
0x78: {  	_ =	shalt  }
0x79: {  	_ =	shalt  }
0x7a: {  	_ =	shalt  }
0x7b: {  	_ =	shalt  }
0x7c: {  	_ =	shalt  }
0x7d: {  	_ =	shalt  }
0x7e: {  	_ =	shalt  }
0x7f: {  	_ =	shalt  }
0x80: {  	_ =	shalt  }
0x81: {  	_ =	shalt  }
0x82: {  	_ =	shalt  }
0x83: {  	_ =	shalt  }
0x84: {  	_ =	shalt  }
0x85: {  	_ =	shalt  }
0x86: {  	_ =	shalt  }
0x87: {  	_ =	shalt  }
.Lfunc_end0:
.L_simem_size_0:
called_computation.1_lowered:
.L_overlay_start_0:
0x88: {  	s2 =	sld [smem:$0x3FD9]  }
0x89: {  	s3 =	sld [smem:$0x3FFE];
	_ =	sdelay $0x1  }
0x8a: {  	s1 =	srdreg.scid  }
0x8b: {  	s0 =	sand.u32 $0x1, s1  }
0x8c: {  	s14 =	sshll.u32 s0, $0xA;
	s2 =	sadd.s32 s3, s2  }
0x8d: {  	s2 =	sadd.s32 s2, s14  }
0x8e: {  	[smem:$0x3FAD] =	sst s2  }
0x8f: {  	_ = 	snop  }
0x90: {  	s2 =	sld [smem:$0x3FD0];
	_ =	sdelay $0x2  }
0x91: {  	s15 =	simm.s32 $0xA;
	s4 =	simm.s32 $0x10  }
0x92: {  	[smem:s4], [sflag:s15] =	dma.local [hbm:s2], $0x1  }
0x93: {  	_ =	swait.eq [sflag:s15], $0x1  }
0x94: {  	[sflag:s15] =	ssyncset.done $0x0  }
0x95: {  	[sflag:s15] =	ssyncadd.s32 $0xFFFFFFFF  }
0x96: {  	s16 =	sld [smem:$0x10];
	(tm) =	ssettm $0x1  }
0x97: {  	s17 =	sld [smem:$0x3FFB];
	_ =	sdelay $0x3  }
0x98: {  	_ =	strace s17  }
0x99: {  	s3 =	sld [smem:$0x3FFC];
	_ =	sdelay $0x3  }
0x9a: {  	_ =	strace s3  }
0x9b: {  	s3 =	sld [smem:$0x3FFD];
	_ =	sdelay $0x3  }
0x9c: {  	_ =	strace s3  }
0x9d: {  	_ =	strace $0x8FFFFFFF  }
0x9e: {  	s18 =	sld [smem:$0x3FDB];
	_ =	sdelay $0x1  }
0x9f: {  	s19 =	simm.s32 $_scs_section_size  }
0xa0: {  	s5 =	simm.s32 $_size__tile_overlayer_lowered;
	s6 =	simm.s32 $_tile_overlayer_lowered  }
0xa1: {  	s22 =	simm.s32 $0x1BFF;
	s21 =	sshll.u32 s6, $0x1;
	s3 =	sadd.s32 s19, s18  }
0xa2: {  	s7 =	simm.s32 $0x0;
	s20 =	sshll.u32 s5, $0x1;
	s5 =	sadd.s32 s21, s3  }
0xa3: {  	[timem:s7], [sflag:s22] =	dma.local [hbm:s5], s20  }
0xa4: {  	_ =	swait.ge [sflag:s22], s20  }
0xa5: {  	s4 =	ssub.s32 $0x0, s20;
	[sflag:s22] =	ssyncset.done $0x0  }
0xa6: {  	[sflag:s22] =	ssyncadd.s32 s4;
	_ =	sdelay $0x1  }
0xa7: {  	s23 =	simm.s32 $0x1B8B  }
0xa8: {  	_ =	swait.ge [sflag:s23], $0x1  }
0xa9: {  	[sflag:s23] =	ssyncset.done $0x0  }
0xaa: {  	s25 =	simm.s32 $0x1B8E;
	s24 =	sld [smem:$0x3FFE];
	[sflag:s23] =	ssyncadd.s32 $0xFFFFFFFF  }
0xab: {  	s26 =	simm.s32 $execute0_lowered;
	[smem:$0x3FD2] =	sst s25  }
0xac: {  	s5 =	sshll.u32 s26, $0x1;
	_ =	strace $0x80000049;
	[dreg:$0x1] =	wrdreg $0xFFFFFFFF  }
0xad: {  	s28 =	simm.s32 $_size_execute0_lowered;
	s3 =	sadd.s32 s3, s5;
	[dreg:$0x0] =	wrdreg $0x0  }
0xae: {  	s5 =	sshll.u32 s28, $0x1;
	[dreg:$0x2] =	wrdreg s3  }
0xaf: {  	[dreg:$0x3] =	wrdreg s5  }
0xb0: {  	[dreg:$0x4] =	wrdreg $0xC0  }
0xb1: {  	_ =	task [dreg:s7], $0x5FFFF  }
0xb2: {  	[dreg:$0x1] =	wrdreg $0xFFFFFFFF  }
0xb3: {  	[dreg:$0x0] =	wrdreg $0x60  }
0xb4: {  	[dreg:$0x2] =	wrdreg s24  }
0xb5: {  	[dreg:$0x3] =	wrdreg s16  }
0xb6: {  	[dreg:$0x4] =	wrdreg $0x0  }
0xb7: {  	[dreg:$0x5] =	wrdreg $0x9  }
0xb8: {  	_ =	task.clear_ibuf [dreg:s7], $0x6FFFF;
	_ =	strace $0x90000049  }
0xb9: {  	s29 =	simm.s32 $0x9;
	_ =	strace $0x8000004B  }
0xba: {  	_ =	swait.ge [sflag:s29], $0x1  }
0xbb: {  	[sflag:s29] =	ssyncadd.s32 $0xFFFFFFFF  }
0xbc: {  	_ =	strace $0x9000004B  }
0xbd: {  	_ =	sfence  }
0xbe: {  	s30 =	sld [smem:$0x0];
	_ =	sdelay $0x2  }
0xbf: {  	s31 =	sshll.u32 s1, $0xD;
	s1 =	sshrl.u32 s1, $0x2  }
0xc0: {  	s3 =	sand.u32 $0x4000, s31;
	s1 =	sadd.s32 s1, s30  }
0xc1: {  	s0 =	sor.u32 s3, s0;
	s1 =	sshll.u32 s1, $0x11  }
0xc2: {  	s0 =	sor.u32 s1, s0  }
0xc3: {  	s0 =	sadd.s32 $0x8F2B, s0  }
0xc4: {  	[sflag:s0] =	ssyncadd.remote.s32 $0x1  }
0xc5: {  	_ =	sfence.sel $0xFFFF  }
0xc6: {  	[dreg:$0x0] =	wrdreg $0xFFFFFFFF;
	(pc) =	sbr.abs _section_cstart, $3  }
0xc7: {  	[dreg:$0x1] =	wrdreg $0xFFFFFFFF  }
0xc8: {  	_ =	task.clear_ibuf [dreg:s7], $0x2FFFF;
	_ =	strace $0x9FFFFFFF  }
0xc9: {  	(tm) =	ssettm $0x7FFFFFFF  }
tec
execute0_lowered:
.L_overlay_start_1:
0x0: {  	(tag) =	ssettag $0x1  }
0x1: {  	s5 =	rddreg [dreg:$0x0]  }
0x2: {  	s8 =	rddreg [dreg:$0x1]  }
0x3: {  	s1 =	srdreg.scid;
	s0 =	stileid.u32  }
0x4: {  	s2 =	rddreg [dreg:$0x2];
	s3 =	simm.s32 $0x0;
	s14 =	simm.s32 $0x13880  }
0x5: {  	s15 =	simm.s32 $0x13900;
	s16 =	simm.s32 $0x80;
	s17 =	simm.s32 $0x13980  }
0x6: {  	s18 =	simm.s32 $0x1;
	s6 =	sand.u32 $0x1, s1;
	s1 =	rddreg [dreg:$0x3]  }
0x7: {  	s19 =	simm.s32 $0x0;
	s4 =	smul.u32 $0x9C, s0;
	[smem:$0x7FF] =	sst s3  }
0x8: {  	s9 =	sshll.u32 s0, $0x1;
	s10 =	smul.u32 $0x278, s0;
	p1 =	slt.u32 s0, $0x2  }
0x9: {  	s31 =	sshll.u32 s0, $0x6;
	s7 =	smul.u32 $0x4E, s6;
	_ =	strace $0x8000004A  }
0xa: {  	s24 =	sor.u32 s6, s9;
	s11 =	smul.u32 $0x138800, s6;
	s12 =	ssub.s32 $0x2, s6  }
0xb: {  	p0 =	seq.s32 s6, $0x0;
	s9 =	smin.u32 s24, $0x4;
	s10 =	smin.u32 s10, $0x2498  }
0xc: {  	s28 =	sshrl.u32 s12, $0x1;
	s7 =	sadd.s32 s7, s4;
	s4 =	sadd.s32 $0x18400, s5  }
0xd: {  	s25 =	sshll.u32 s10, $0x7;
	s30 =	sshll.u32 s10, $0x4;
	s7 =	sadd.s32 s9, s7  }
0xe: {  	s11 =	sadd.s32 s11, s25;
	s29 =	sadd.s32 s25, s2;
	s8 =	smov.u32 @p0 s4  }
0xf: {  	s9 =	sor.u32 $0x1C02, s31;
	s7 =	sshll.u32 s7, $0x4;
	s26 =	sshrl.u32 s11, $0x3  }
0x10: {  	s11 =	ssub.s32 s12, s28;
	s8 =	sadd.s32 s8, s30;
	s12 =	sshrl.u32 s29, $0x3  }
0x11: {  	s13 =	sadd.s32 s7, s5;
	s7 =	sadd.s32 s26, s5;
	s5 =	simm.s32 $0x4F  }
0x12: {  	s5 =	simm.s32 @!p1 $0x4E;
	s6 =	sadd.s32 $0x3F600, s7;
	s7 =	smax.u32 s11, $0x1  }
0x13: {  	s10 =	sadd.s32 $0xE600, s13;
	s11 =	sadd.s32 $0x4800, s13;
	s13 =	simm.s32 $0x2  }
.LBB2_1:
0x14: {  	[spmem:s12], [sflag:s9] =	dma.local [hbm:s8], $0x2780  }
0x15: {  	_ =	swait.ge [sflag:s13], $0x2780  }
0x16: {  	[sflag:s13] =	ssyncset.done $0x0  }
0x17: {  	[sflag:s13] =	ssyncadd.s32 $0xFFFFD880  }
0x18: {  	[bflag:$0x0] =	sbarrier.arrive $0xFFFF  }
0x19: {  	[tilespmem:s14], [sflag:$0x2] =	stream.linear.gather [hbm4b:s10+s3], $0x80, $0x38;
	[tilespmem:$0x17980] =	vst v63  }
0x1a: {  	_ =	swait.ge [sflag:s13], $0x80  }
0x1b: {  	[sflag:s13] =	ssyncset.done $0x0  }
0x1c: {  	[sflag:s13] =	ssyncadd.s32 $0xFFFFFF80  }
0x1d: {  	[tilespmem:s15], [sflag:$0x2] =	stream.linear.gather [hbm4b:s11+s3], $0x80, $0x38;
	[tilespmem:$0x17980] =	vst v63  }
0x1e: {  	_ =	swait.ge [sflag:s13], $0x80  }
0x1f: {  	[sflag:s13] =	ssyncset.done $0x0  }
0x20: {  	[sflag:s13] =	ssyncadd.s32 $0xFFFFFF80  }
0x21: {  	[tilespmem:s17], [sflag:$0x1] =	stream.indirect.gather [hbm4b:s4+s16], $0x80, s14, s16, $0xb8;
	[tilespmem:$0x17980] =	vst v63  }
0x22: {  	p0 =	sne.s32 s5, $0x1;
	_ =	swait.ge [sflag:s18], $0x4000  }
.Ltmp0:
0x23: {  	[sflag:s18] =	ssyncset.done $0x0;
	(pc) =	sbr.rel @!p0 .LBB2_3-.Ltmp0, $4  }
0x24: {  	[sflag:s18] =	ssyncadd.s32 $0xFFFFC000  }
0x25: {  	[spmem:s2] =	stream.indirect.scatter.add.f32 [tilespmem:s17], [sflag:$0x2], $0x80, s15, s16, $0xb8;
	[tilespmem:$0x17980] =	vst v63  }
0x26: {  	s20 =	sadd.s32 $0xFFFFFFFF, s5;
	_ =	swait.ge [sflag:s13], $0x4000  }
0x27: {  	s21 =	smov.u32 s10;
	s22 =	smov.u32 s11;
	[sflag:s13] =	ssyncset.done $0x0  }
.LBB2_2:
0x28: {  	[sflag:s13] =	ssyncadd.s32 $0xFFFFC000;
	s21 =	sadd.s32 $0x10, s21;
	s22 =	sadd.s32 $0x10, s22  }
0x29: {  	[tilespmem:s14], [sflag:$0x2] =	stream.linear.gather [hbm4b:s21+s3], $0x80, $0x38;
	[tilespmem:$0x17980] =	vst v63  }
0x2a: {  	p0 =	sne.s32 s20, $0x1;
	s20 =	sadd.s32 $0xFFFFFFFF, s20;
	_ =	swait.ge [sflag:s13], $0x80  }
0x2b: {  	[sflag:s13] =	ssyncset.done $0x0  }
0x2c: {  	[sflag:s13] =	ssyncadd.s32 $0xFFFFFF80  }
0x2d: {  	[tilespmem:s15], [sflag:$0x2] =	stream.linear.gather [hbm4b:s22+s3], $0x80, $0x38;
	[tilespmem:$0x17980] =	vst v63  }
0x2e: {  	_ =	swait.ge [sflag:s13], $0x80  }
0x2f: {  	[sflag:s13] =	ssyncset.done $0x0  }
0x30: {  	[sflag:s13] =	ssyncadd.s32 $0xFFFFFF80  }
0x31: {  	[tilespmem:s17], [sflag:$0x1] =	stream.indirect.gather [hbm4b:s4+s16], $0x80, s14, s16, $0xb8;
	[tilespmem:$0x17980] =	vst v63  }
0x32: {  	_ =	swait.ge [sflag:s18], $0x4000  }
.Ltmp1:
0x33: {  	[sflag:s18] =	ssyncset.done $0x0;
	(pc) =	sbr.rel @p0 .LBB2_2-.Ltmp1, $4  }
0x34: {  	[sflag:s18] =	ssyncadd.s32 $0xFFFFC000  }
0x35: {  	[spmem:s2] =	stream.indirect.scatter.add.f32 [tilespmem:s17], [sflag:$0x2], $0x80, s15, s16, $0xb8;
	[tilespmem:$0x17980] =	vst v63  }
0x36: {  	_ =	swait.ge [sflag:s13], $0x4000  }
0x37: {  	[sflag:s13] =	ssyncset.done $0x0  }
.LBB2_3:
0x38: {  	s19 =	sadd.s32 $0x1, s19  }
0x39: {  	[sflag:s13] =	ssyncadd.s32 $0xFFFFC000;
	p0 =	sne.s32 s19, s7  }
.Ltmp2:
0x3a: {  	[bflag:$0x0] =	sbarrier.arrive $0xFFFF;
	(pc) =	sbr.rel @p0 .LBB2_1-.Ltmp2, $4  }
0x3b: {  	[hbm:s6], [sflag:s9] =	dma.local [spmem:s12], $0x2780  }
0x3c: {  	_ =	swait.ge [sflag:s13], $0x2780  }
0x3d: {  	[sflag:s13] =	ssyncset.done $0x0  }
0x3e: {  	[sflag:s13] =	ssyncadd.s32 $0xFFFFD880  }
0x3f: {  	_ =	sfence.sel $0x180000  }
0x40: {  	[bflag:$0x0] =	sbarrier.arrive $0xFFFF  }
0x41: {  	p0 =	sne.s32 s0, $0x0;
	_ =	strace $0x9000004A  }
0x42: {  	s0 =	sadd.s32 @!p0 $0x100000, s1;
	[bflag:$0x2] =	sbarrier.arrive $0xFFFF  }
0x43: {  	[sflag:s0] =	ssyncadd.tile.s32 @!p0 $0x1;
	_ =	shalt  }
.Lfunc_end2:
_tile_overlayer_lowered:
.L_overlay_start_2:
0x44: {  	(tag) =	ssettag $0x2  }
0x45: {  	s0 =	rddreg [dreg:$0x0];
	s2 =	stileid.u32  }
0x46: {  	s1 =	rddreg [dreg:$0x1];
	p0 =	sne.s32 s2, $0x0  }
0x47: {  	s3 =	rddreg [dreg:$0x2];
	[bflag:$0x3] =	sbarrier.arrive $0xFFFF;
	s2 =	simm.s32 @!p0 $0x1C02  }
0x48: {  	[timem:s3], [sflag:s2] =	dma.local @!p0 [hbm:s0], s1  }
0x49: {  	s0 =	simm.s32 @!p0 $0x2  }
0x4a: {  	_ =	swait.ge @!p0 [sflag:s0], s1  }
0x4b: {  	s1 =	ssub.s32 @!p0 $0x0, s1;
	[sflag:s0] =	ssyncset.done @!p0 $0x0  }
0x4c: {  	[sflag:s0] =	ssyncadd.s32 @!p0 s1  }
0x4d: {  	[bflag:$0x3] =	sbarrier.arrive $0xFFFF  }
0x4e: {  	_ =	shalt  }

// kernel: kernel.15.cloned.1.call-start
scs
__scs_entry_jumppad:
0x0: {  	(pc) =	sbr.rel $0x88, $3  }
0x1: {  	(tag) =	ssettag $0x0;
	lr =	simm.s32 $0x1  }
0x2: {  	[smem:$0x3F86] =	sst lr;
	_ =	strace $0xD0000000  }
0x3: {  	_ = 	snop  }
0x4: {  	_ = 	snop  }
0x5: {  	_ = 	snop  }
0x6: {  	_ = 	snop  }
0x7: {  	_ = 	snop  }
__scs_overlays_trampoline_lowered:
0x8: {  	[smem:$0x3F95] =	sst s0  }
0x9: {  	[smem:$0x3F96] =	sst s1  }
0xa: {  	[smem:$0x3F97] =	sst s2  }
0xb: {  	[smem:$0x3F98] =	sst s3  }
0xc: {  	[smem:$0x3F99] =	sst s4  }
0xd: {  	[smem:$0x3F9A] =	sst s5  }
0xe: {  	[smem:$0x3F9B] =	sst s6  }
0xf: {  	[smem:$0x3F9C] =	sst s7  }
0x10: {  	[smem:$0x3F9D] =	sst s8  }
0x11: {  	[smem:$0x3F9E] =	sst s9;
	s0 =	simm.s32 @!p0 $0x0  }
0x12: {  	s1 =	sld [smem:$0x3F84];
	s0 =	simm.s32 @p0 $0x1  }
0x13: {  	[smem:$0x3F9F] =	sst s0;
	s0 =	simm.s32 @!p1 $0x0  }
0x14: {  	s2 =	sld [smem:$0x3F83];
	s0 =	simm.s32 @p1 $0x1  }
0x15: {  	[smem:$0x3FA0] =	sst s0;
	s0 =	simm.s32 @!p2 $0x0  }
0x16: {  	s3 =	sld [smem:$0x3FDB];
	s0 =	simm.s32 @p2 $0x1  }
0x17: {  	s4 =	simm.s32 $0x1BF5;
	[smem:$0x3FA2] =	sst s0  }
0x18: {  	s0 =	sld [smem:$0x3F85];
	_ =	swait.ge [sflag:s4], $0x0  }
0x19: {  	s7 =	sld [smem:$0x3F86]  }
0x1a: {  	s8 =	sadd.s32 $0xFFFFE003, lr  }
0x1b: {  	s9 =	sadd.s32 $0xFFFFFEF7, lr;
	s5 =	simm.s32 $0xFFFFFFFF;
	p2 =	slt.u32 s8, $0xFFFFF086  }
0x1c: {  	p1 =	slt.u32 s9, $0xF7A;
	s5 =	simm.s32 @!p2 $0x0  }
0x1d: {  	s5 =	simm.s32 @p1 $0x1;
	p0 =	seq.s32 s7, s2  }
0x1e: {  	s7 =	smul.u32 @!p0 $0xF7A, s2;
	p2 =	seq.s32 @!p0 s5, $0x0  }
0x1f: {  	s9 =	smul.u32 $0xF7A, s1;
	s8 =	simm.s32 @!p0 $0x1BF5;
	p2 =	por !p2, p0  }
0x20: {  	[sflag:s8] =	ssyncset.s32 @!p0 $0xFFFFF086;
	s6 =	sadd.s32 @!p0 s3, s7;
	s7 =	simm.s32 @!p0 $0x108  }
0x21: {  	s3 =	sadd.s32 s3, s9;
	s6 =	sadd.s32 @!p0 $0x88, s6;
	s7 =	simm.s32 @p2 $0x1082  }
0x22: {  	[simem:s7], [sflag:s8] =	dma.local @!p0 [hbm:s6], $0xF7A  }
0x23: {  	s9 =	sor.u32 $0xD0000000, s2;
	s6 =	simm.s32 $0x108;
	_ =	swait.ge @!p0 [sflag:s8], $0x0  }
0x24: {  	s3 =	sadd.s32 $0x88, s3;
	s6 =	simm.s32 @!p1 $0x1082;
	[sflag:s4] =	ssyncset.s32 $0xFFFFF086  }
0x25: {  	[simem:s6], [sflag:s4] =	dma.local [hbm:s3], $0xF7A  }
0x26: {  	[smem:$0x3F86] =	sst s1;
	(tag) =	ssettag s2;
	_ =	strace s9  }
0x27: {  	s1 =	sld [smem:$0x3F96]  }
0x28: {  	s2 =	sld [smem:$0x3F97]  }
0x29: {  	s4 =	sld [smem:$0x3F99]  }
0x2a: {  	p0 =	seq.s32 s5, $0x0;
	s5 =	sld [smem:$0x3F9A]  }
0x2b: {  	s6 =	sld [smem:$0x3F9B]  }
0x2c: {  	s7 =	sld [smem:$0x3F9C]  }
0x2d: {  	s3 =	simm.s32 $0x108;
	s8 =	sld [smem:$0x3F9D]  }
0x2e: {  	s3 =	simm.s32 @!p0 $0x1082;
	s9 =	sld [smem:$0x3F9E]  }
0x2f: {  	lr =	sadd.s32 s0, s3;
	s0 =	sld [smem:$0x3F95]  }
0x30: {  	s3 =	sld [smem:$0x3F98]  }
0x31: {  	[smem:$0x3FA1] =	sst s10  }
0x32: {  	s10 =	sld [smem:$0x3F9F];
	_ =	sdelay $0x3  }
0x33: {  	p0 =	seq.s32 s10, $0x1;
	s10 =	sld [smem:$0x3FA1];
	_ =	sdelay $0x3  }
0x34: {  	[smem:$0x3FA1] =	sst s10  }
0x35: {  	s10 =	sld [smem:$0x3FA0];
	_ =	sdelay $0x3  }
0x36: {  	p1 =	seq.s32 s10, $0x1;
	s10 =	sld [smem:$0x3FA1];
	_ =	sdelay $0x3  }
0x37: {  	[smem:$0x3FA1] =	sst s10  }
0x38: {  	s10 =	sld [smem:$0x3FA2]  }
0x39: {  	_ = 	snop;
	(pc) =	sbr.ind lr, $3  }
0x3a: {  	_ = 	snop  }
0x3b: {  	_ = 	snop  }
0x3c: {  	p2 =	seq.s32 s10, $0x1;
	s10 =	sld [smem:$0x3FA1]  }
0x3d: {  	_ =	shalt  }
0x3e: {  	_ =	shalt  }
0x3f: {  	_ =	shalt  }
0x40: {  	_ =	shalt  }
0x41: {  	_ =	shalt  }
0x42: {  	_ =	shalt  }
0x43: {  	_ =	shalt  }
0x44: {  	_ =	shalt  }
0x45: {  	_ =	shalt  }
0x46: {  	_ =	shalt  }
0x47: {  	_ =	shalt  }
0x48: {  	_ =	shalt  }
0x49: {  	_ =	shalt  }
0x4a: {  	_ =	shalt  }
0x4b: {  	_ =	shalt  }
0x4c: {  	_ =	shalt  }
0x4d: {  	_ =	shalt  }
0x4e: {  	_ =	shalt  }
0x4f: {  	_ =	shalt  }
0x50: {  	_ =	shalt  }
0x51: {  	_ =	shalt  }
0x52: {  	_ =	shalt  }
0x53: {  	_ =	shalt  }
0x54: {  	_ =	shalt  }
0x55: {  	_ =	shalt  }
0x56: {  	_ =	shalt  }
0x57: {  	_ =	shalt  }
0x58: {  	_ =	shalt  }
0x59: {  	_ =	shalt  }
0x5a: {  	_ =	shalt  }
0x5b: {  	_ =	shalt  }
0x5c: {  	_ =	shalt  }
0x5d: {  	_ =	shalt  }
0x5e: {  	_ =	shalt  }
0x5f: {  	_ =	shalt  }
0x60: {  	_ =	shalt  }
0x61: {  	_ =	shalt  }
0x62: {  	_ =	shalt  }
0x63: {  	_ =	shalt  }
0x64: {  	_ =	shalt  }
0x65: {  	_ =	shalt  }
0x66: {  	_ =	shalt  }
0x67: {  	_ =	shalt  }
0x68: {  	_ =	shalt  }
0x69: {  	_ =	shalt  }
0x6a: {  	_ =	shalt  }
0x6b: {  	_ =	shalt  }
0x6c: {  	_ =	shalt  }
0x6d: {  	_ =	shalt  }
0x6e: {  	_ =	shalt  }
0x6f: {  	_ =	shalt  }
0x70: {  	_ =	shalt  }
0x71: {  	_ =	shalt  }
0x72: {  	_ =	shalt  }
0x73: {  	_ =	shalt  }
0x74: {  	_ =	shalt  }
0x75: {  	_ =	shalt  }
0x76: {  	_ =	shalt  }
0x77: {  	_ =	shalt  }
0x78: {  	_ =	shalt  }
0x79: {  	_ =	shalt  }
0x7a: {  	_ =	shalt  }
0x7b: {  	_ =	shalt  }
0x7c: {  	_ =	shalt  }
0x7d: {  	_ =	shalt  }
0x7e: {  	_ =	shalt  }
0x7f: {  	_ =	shalt  }
0x80: {  	_ =	shalt  }
0x81: {  	_ =	shalt  }
0x82: {  	_ =	shalt  }
0x83: {  	_ =	shalt  }
0x84: {  	_ =	shalt  }
0x85: {  	_ =	shalt  }
0x86: {  	_ =	shalt  }
0x87: {  	_ =	shalt  }
.Lfunc_end0:
.L_simem_size_0:
called_computation.2_lowered:
.L_overlay_start_0:
0x88: {  	s2 =	sld [smem:$0x3FD9]  }
0x89: {  	s3 =	sld [smem:$0x3FFE];
	_ =	sdelay $0x1  }
0x8a: {  	s1 =	srdreg.scid  }
0x8b: {  	s0 =	sand.u32 $0x1, s1  }
0x8c: {  	s14 =	sshll.u32 s0, $0xA;
	s2 =	sadd.s32 s3, s2  }
0x8d: {  	s2 =	sadd.s32 s2, s14  }
0x8e: {  	[smem:$0x3FAD] =	sst s2  }
0x8f: {  	_ = 	snop  }
0x90: {  	s2 =	sld [smem:$0x3FD0];
	_ =	sdelay $0x2  }
0x91: {  	s15 =	simm.s32 $0xA;
	s4 =	simm.s32 $0x10  }
0x92: {  	[smem:s4], [sflag:s15] =	dma.local [hbm:s2], $0x1  }
0x93: {  	_ =	swait.eq [sflag:s15], $0x1  }
0x94: {  	[sflag:s15] =	ssyncset.done $0x0  }
0x95: {  	[sflag:s15] =	ssyncadd.s32 $0xFFFFFFFF  }
0x96: {  	s16 =	sld [smem:$0x10];
	(tm) =	ssettm $0x1  }
0x97: {  	s17 =	sld [smem:$0x3FFB];
	_ =	sdelay $0x3  }
0x98: {  	_ =	strace s17  }
0x99: {  	s3 =	sld [smem:$0x3FFC];
	_ =	sdelay $0x3  }
0x9a: {  	_ =	strace s3  }
0x9b: {  	s3 =	sld [smem:$0x3FFD];
	_ =	sdelay $0x3  }
0x9c: {  	_ =	strace s3  }
0x9d: {  	_ =	strace $0x8FFFFFFF  }
0x9e: {  	s18 =	sld [smem:$0x3FDB];
	_ =	sdelay $0x1  }
0x9f: {  	s19 =	simm.s32 $_scs_section_size  }
0xa0: {  	s5 =	simm.s32 $_size__tile_overlayer_lowered;
	s6 =	simm.s32 $_tile_overlayer_lowered  }
0xa1: {  	s22 =	simm.s32 $0x1BFF;
	s21 =	sshll.u32 s6, $0x1;
	s3 =	sadd.s32 s19, s18  }
0xa2: {  	s7 =	simm.s32 $0x0;
	s20 =	sshll.u32 s5, $0x1;
	s5 =	sadd.s32 s21, s3  }
0xa3: {  	[timem:s7], [sflag:s22] =	dma.local [hbm:s5], s20  }
0xa4: {  	_ =	swait.ge [sflag:s22], s20  }
0xa5: {  	s4 =	ssub.s32 $0x0, s20;
	[sflag:s22] =	ssyncset.done $0x0  }
0xa6: {  	[sflag:s22] =	ssyncadd.s32 s4;
	_ =	sdelay $0x1  }
0xa7: {  	s23 =	simm.s32 $0x1B8B  }
0xa8: {  	_ =	swait.ge [sflag:s23], $0x1  }
0xa9: {  	[sflag:s23] =	ssyncset.done $0x0  }
0xaa: {  	s25 =	simm.s32 $0x1B8E;
	s24 =	sld [smem:$0x3FFE];
	[sflag:s23] =	ssyncadd.s32 $0xFFFFFFFF  }
0xab: {  	s26 =	simm.s32 $execute0_lowered;
	[smem:$0x3FD2] =	sst s25  }
0xac: {  	s5 =	sshll.u32 s26, $0x1;
	_ =	strace $0x8000004C;
	[dreg:$0x1] =	wrdreg $0xFFFFFFFF  }
0xad: {  	s28 =	simm.s32 $_size_execute0_lowered;
	s3 =	sadd.s32 s3, s5;
	[dreg:$0x0] =	wrdreg $0x0  }
0xae: {  	s5 =	sshll.u32 s28, $0x1;
	[dreg:$0x2] =	wrdreg s3  }
0xaf: {  	[dreg:$0x3] =	wrdreg s5  }
0xb0: {  	[dreg:$0x4] =	wrdreg $0xC0  }
0xb1: {  	_ =	task [dreg:s7], $0x5FFFF  }
0xb2: {  	[dreg:$0x1] =	wrdreg $0xFFFFFFFF  }
0xb3: {  	[dreg:$0x0] =	wrdreg $0x60  }
0xb4: {  	[dreg:$0x2] =	wrdreg s24  }
0xb5: {  	[dreg:$0x3] =	wrdreg s16  }
0xb6: {  	[dreg:$0x4] =	wrdreg $0x0  }
0xb7: {  	[dreg:$0x5] =	wrdreg $0x9  }
0xb8: {  	_ =	task.clear_ibuf [dreg:s7], $0x6FFFF;
	_ =	strace $0x9000004C  }
0xb9: {  	s29 =	simm.s32 $0x9;
	_ =	strace $0x8000004E  }
0xba: {  	_ =	swait.ge [sflag:s29], $0x1  }
0xbb: {  	[sflag:s29] =	ssyncadd.s32 $0xFFFFFFFF  }
0xbc: {  	_ =	strace $0x9000004E  }
0xbd: {  	_ =	sfence  }
0xbe: {  	s30 =	sld [smem:$0x0];
	_ =	sdelay $0x2  }
0xbf: {  	s31 =	sshll.u32 s1, $0xD;
	s1 =	sshrl.u32 s1, $0x2  }
0xc0: {  	s3 =	sand.u32 $0x4000, s31;
	s1 =	sadd.s32 s1, s30  }
0xc1: {  	s0 =	sor.u32 s3, s0;
	s1 =	sshll.u32 s1, $0x11  }
0xc2: {  	s0 =	sor.u32 s1, s0  }
0xc3: {  	s0 =	sadd.s32 $0x8F2B, s0  }
0xc4: {  	[sflag:s0] =	ssyncadd.remote.s32 $0x1  }
0xc5: {  	_ =	sfence.sel $0xFFFF  }
0xc6: {  	[dreg:$0x0] =	wrdreg $0xFFFFFFFF;
	(pc) =	sbr.abs _section_cstart, $3  }
0xc7: {  	[dreg:$0x1] =	wrdreg $0xFFFFFFFF  }
0xc8: {  	_ =	task.clear_ibuf [dreg:s7], $0x2FFFF;
	_ =	strace $0x9FFFFFFF  }
0xc9: {  	(tm) =	ssettm $0x7FFFFFFF  }
tec
execute0_lowered:
.L_overlay_start_1:
0x0: {  	(tag) =	ssettag $0x1  }
0x1: {  	s5 =	rddreg [dreg:$0x0]  }
0x2: {  	s8 =	rddreg [dreg:$0x1]  }
0x3: {  	s1 =	srdreg.scid;
	s0 =	stileid.u32  }
0x4: {  	s2 =	rddreg [dreg:$0x2];
	s3 =	simm.s32 $0x0;
	s14 =	simm.s32 $0x13880  }
0x5: {  	s15 =	simm.s32 $0x13900;
	s16 =	simm.s32 $0x80;
	s17 =	simm.s32 $0x13980  }
0x6: {  	s18 =	simm.s32 $0x1;
	s6 =	sand.u32 $0x1, s1;
	s1 =	rddreg [dreg:$0x3]  }
0x7: {  	s19 =	simm.s32 $0x0;
	s4 =	smul.u32 $0x9C, s0;
	[smem:$0x7FF] =	sst s3  }
0x8: {  	s9 =	sshll.u32 s0, $0x1;
	s10 =	smul.u32 $0x278, s0;
	p1 =	slt.u32 s0, $0x2  }
0x9: {  	s31 =	sshll.u32 s0, $0x6;
	s7 =	smul.u32 $0x4E, s6;
	_ =	strace $0x8000004D  }
0xa: {  	s24 =	sor.u32 s6, s9;
	s11 =	smul.u32 $0x138800, s6;
	s12 =	ssub.s32 $0x2, s6  }
0xb: {  	p0 =	seq.s32 s6, $0x0;
	s9 =	smin.u32 s24, $0x4;
	s10 =	smin.u32 s10, $0x2498  }
0xc: {  	s28 =	sshrl.u32 s12, $0x1;
	s7 =	sadd.s32 s7, s4;
	s4 =	sadd.s32 $0x18400, s5  }
0xd: {  	s25 =	sshll.u32 s10, $0x7;
	s30 =	sshll.u32 s10, $0x4;
	s7 =	sadd.s32 s9, s7  }
0xe: {  	s11 =	sadd.s32 s11, s25;
	s29 =	sadd.s32 s25, s2;
	s8 =	smov.u32 @p0 s4  }
0xf: {  	s9 =	sor.u32 $0x1C02, s31;
	s7 =	sshll.u32 s7, $0x4;
	s26 =	sshrl.u32 s11, $0x3  }
0x10: {  	s11 =	ssub.s32 s12, s28;
	s8 =	sadd.s32 s8, s30;
	s12 =	sshrl.u32 s29, $0x3  }
0x11: {  	s13 =	sadd.s32 s7, s5;
	s7 =	sadd.s32 s26, s5;
	s5 =	simm.s32 $0x4F  }
0x12: {  	s5 =	simm.s32 @!p1 $0x4E;
	s6 =	sadd.s32 $0x3F600, s7;
	s7 =	smax.u32 s11, $0x1  }
0x13: {  	s10 =	sadd.s32 $0xE600, s13;
	s11 =	sadd.s32 $0x4800, s13;
	s13 =	simm.s32 $0x2  }
.LBB2_1:
0x14: {  	[spmem:s12], [sflag:s9] =	dma.local [hbm:s8], $0x2780  }
0x15: {  	_ =	swait.ge [sflag:s13], $0x2780  }
0x16: {  	[sflag:s13] =	ssyncset.done $0x0  }
0x17: {  	[sflag:s13] =	ssyncadd.s32 $0xFFFFD880  }
0x18: {  	[bflag:$0x0] =	sbarrier.arrive $0xFFFF  }
0x19: {  	[tilespmem:s14], [sflag:$0x2] =	stream.linear.gather [hbm4b:s10+s3], $0x80, $0x38;
	[tilespmem:$0x17980] =	vst v63  }
0x1a: {  	_ =	swait.ge [sflag:s13], $0x80  }
0x1b: {  	[sflag:s13] =	ssyncset.done $0x0  }
0x1c: {  	[sflag:s13] =	ssyncadd.s32 $0xFFFFFF80  }
0x1d: {  	[tilespmem:s15], [sflag:$0x2] =	stream.linear.gather [hbm4b:s11+s3], $0x80, $0x38;
	[tilespmem:$0x17980] =	vst v63  }
0x1e: {  	_ =	swait.ge [sflag:s13], $0x80  }
0x1f: {  	[sflag:s13] =	ssyncset.done $0x0  }
0x20: {  	[sflag:s13] =	ssyncadd.s32 $0xFFFFFF80  }
0x21: {  	[tilespmem:s17], [sflag:$0x1] =	stream.indirect.gather [hbm4b:s4+s16], $0x80, s14, s16, $0xb8;
	[tilespmem:$0x17980] =	vst v63  }
0x22: {  	p0 =	sne.s32 s5, $0x1;
	_ =	swait.ge [sflag:s18], $0x4000  }
.Ltmp0:
0x23: {  	[sflag:s18] =	ssyncset.done $0x0;
	(pc) =	sbr.rel @!p0 .LBB2_3-.Ltmp0, $4  }
0x24: {  	[sflag:s18] =	ssyncadd.s32 $0xFFFFC000  }
0x25: {  	[spmem:s2] =	stream.indirect.scatter.add.f32 [tilespmem:s17], [sflag:$0x2], $0x80, s15, s16, $0xb8;
	[tilespmem:$0x17980] =	vst v63  }
0x26: {  	s20 =	sadd.s32 $0xFFFFFFFF, s5;
	_ =	swait.ge [sflag:s13], $0x4000  }
0x27: {  	s21 =	smov.u32 s10;
	s22 =	smov.u32 s11;
	[sflag:s13] =	ssyncset.done $0x0  }
.LBB2_2:
0x28: {  	[sflag:s13] =	ssyncadd.s32 $0xFFFFC000;
	s21 =	sadd.s32 $0x10, s21;
	s22 =	sadd.s32 $0x10, s22  }
0x29: {  	[tilespmem:s14], [sflag:$0x2] =	stream.linear.gather [hbm4b:s21+s3], $0x80, $0x38;
	[tilespmem:$0x17980] =	vst v63  }
0x2a: {  	p0 =	sne.s32 s20, $0x1;
	s20 =	sadd.s32 $0xFFFFFFFF, s20;
	_ =	swait.ge [sflag:s13], $0x80  }
0x2b: {  	[sflag:s13] =	ssyncset.done $0x0  }
0x2c: {  	[sflag:s13] =	ssyncadd.s32 $0xFFFFFF80  }
0x2d: {  	[tilespmem:s15], [sflag:$0x2] =	stream.linear.gather [hbm4b:s22+s3], $0x80, $0x38;
	[tilespmem:$0x17980] =	vst v63  }
0x2e: {  	_ =	swait.ge [sflag:s13], $0x80  }
0x2f: {  	[sflag:s13] =	ssyncset.done $0x0  }
0x30: {  	[sflag:s13] =	ssyncadd.s32 $0xFFFFFF80  }
0x31: {  	[tilespmem:s17], [sflag:$0x1] =	stream.indirect.gather [hbm4b:s4+s16], $0x80, s14, s16, $0xb8;
	[tilespmem:$0x17980] =	vst v63  }
0x32: {  	_ =	swait.ge [sflag:s18], $0x4000  }
.Ltmp1:
0x33: {  	[sflag:s18] =	ssyncset.done $0x0;
	(pc) =	sbr.rel @p0 .LBB2_2-.Ltmp1, $4  }
0x34: {  	[sflag:s18] =	ssyncadd.s32 $0xFFFFC000  }
0x35: {  	[spmem:s2] =	stream.indirect.scatter.add.f32 [tilespmem:s17], [sflag:$0x2], $0x80, s15, s16, $0xb8;
	[tilespmem:$0x17980] =	vst v63  }
0x36: {  	_ =	swait.ge [sflag:s13], $0x4000  }
0x37: {  	[sflag:s13] =	ssyncset.done $0x0  }
.LBB2_3:
0x38: {  	s19 =	sadd.s32 $0x1, s19  }
0x39: {  	[sflag:s13] =	ssyncadd.s32 $0xFFFFC000;
	p0 =	sne.s32 s19, s7  }
.Ltmp2:
0x3a: {  	[bflag:$0x0] =	sbarrier.arrive $0xFFFF;
	(pc) =	sbr.rel @p0 .LBB2_1-.Ltmp2, $4  }
0x3b: {  	[hbm:s6], [sflag:s9] =	dma.local [spmem:s12], $0x2780  }
0x3c: {  	_ =	swait.ge [sflag:s13], $0x2780  }
0x3d: {  	[sflag:s13] =	ssyncset.done $0x0  }
0x3e: {  	[sflag:s13] =	ssyncadd.s32 $0xFFFFD880  }
0x3f: {  	_ =	sfence.sel $0x180000  }
0x40: {  	[bflag:$0x0] =	sbarrier.arrive $0xFFFF  }
0x41: {  	p0 =	sne.s32 s0, $0x0;
	_ =	strace $0x9000004D  }
0x42: {  	s0 =	sadd.s32 @!p0 $0x100000, s1;
	[bflag:$0x2] =	sbarrier.arrive $0xFFFF  }
0x43: {  	[sflag:s0] =	ssyncadd.tile.s32 @!p0 $0x1;
	_ =	shalt  }
.Lfunc_end2:
_tile_overlayer_lowered:
.L_overlay_start_2:
0x44: {  	(tag) =	ssettag $0x2  }
0x45: {  	s0 =	rddreg [dreg:$0x0];
	s2 =	stileid.u32  }
0x46: {  	s1 =	rddreg [dreg:$0x1];
	p0 =	sne.s32 s2, $0x0  }
0x47: {  	s3 =	rddreg [dreg:$0x2];
	[bflag:$0x3] =	sbarrier.arrive $0xFFFF;
	s2 =	simm.s32 @!p0 $0x1C02  }
0x48: {  	[timem:s3], [sflag:s2] =	dma.local @!p0 [hbm:s0], s1  }
0x49: {  	s0 =	simm.s32 @!p0 $0x2  }
0x4a: {  	_ =	swait.ge @!p0 [sflag:s0], s1  }
0x4b: {  	s1 =	ssub.s32 @!p0 $0x0, s1;
	[sflag:s0] =	ssyncset.done @!p0 $0x0  }
0x4c: {  	[sflag:s0] =	ssyncadd.s32 @!p0 s1  }
0x4d: {  	[bflag:$0x3] =	sbarrier.arrive $0xFFFF  }
0x4e: {  	_ =	shalt  }

// kernel: kernel.9.cloned.1.call-start
scs
__scs_entry_jumppad:
0x0: {  	(pc) =	sbr.rel $0x88, $3  }
0x1: {  	(tag) =	ssettag $0x0;
	lr =	simm.s32 $0x1  }
0x2: {  	[smem:$0x3F86] =	sst lr;
	_ =	strace $0xD0000000  }
0x3: {  	_ = 	snop  }
0x4: {  	_ = 	snop  }
0x5: {  	_ = 	snop  }
0x6: {  	_ = 	snop  }
0x7: {  	_ = 	snop  }
__scs_overlays_trampoline_lowered:
0x8: {  	[smem:$0x3F95] =	sst s0  }
0x9: {  	[smem:$0x3F96] =	sst s1  }
0xa: {  	[smem:$0x3F97] =	sst s2  }
0xb: {  	[smem:$0x3F98] =	sst s3  }
0xc: {  	[smem:$0x3F99] =	sst s4  }
0xd: {  	[smem:$0x3F9A] =	sst s5  }
0xe: {  	[smem:$0x3F9B] =	sst s6  }
0xf: {  	[smem:$0x3F9C] =	sst s7  }
0x10: {  	[smem:$0x3F9D] =	sst s8  }
0x11: {  	[smem:$0x3F9E] =	sst s9;
	s0 =	simm.s32 @!p0 $0x0  }
0x12: {  	s1 =	sld [smem:$0x3F84];
	s0 =	simm.s32 @p0 $0x1  }
0x13: {  	[smem:$0x3F9F] =	sst s0;
	s0 =	simm.s32 @!p1 $0x0  }
0x14: {  	s2 =	sld [smem:$0x3F83];
	s0 =	simm.s32 @p1 $0x1  }
0x15: {  	[smem:$0x3FA0] =	sst s0;
	s0 =	simm.s32 @!p2 $0x0  }
0x16: {  	s3 =	sld [smem:$0x3FDB];
	s0 =	simm.s32 @p2 $0x1  }
0x17: {  	s4 =	simm.s32 $0x1BF5;
	[smem:$0x3FA2] =	sst s0  }
0x18: {  	s0 =	sld [smem:$0x3F85];
	_ =	swait.ge [sflag:s4], $0x0  }
0x19: {  	s7 =	sld [smem:$0x3F86]  }
0x1a: {  	s8 =	sadd.s32 $0xFFFFE003, lr  }
0x1b: {  	s9 =	sadd.s32 $0xFFFFFEF7, lr;
	s5 =	simm.s32 $0xFFFFFFFF;
	p2 =	slt.u32 s8, $0xFFFFF086  }
0x1c: {  	p1 =	slt.u32 s9, $0xF7A;
	s5 =	simm.s32 @!p2 $0x0  }
0x1d: {  	s5 =	simm.s32 @p1 $0x1;
	p0 =	seq.s32 s7, s2  }
0x1e: {  	s7 =	smul.u32 @!p0 $0xF7A, s2;
	p2 =	seq.s32 @!p0 s5, $0x0  }
0x1f: {  	s9 =	smul.u32 $0xF7A, s1;
	s8 =	simm.s32 @!p0 $0x1BF5;
	p2 =	por !p2, p0  }
0x20: {  	[sflag:s8] =	ssyncset.s32 @!p0 $0xFFFFF086;
	s6 =	sadd.s32 @!p0 s3, s7;
	s7 =	simm.s32 @!p0 $0x108  }
0x21: {  	s3 =	sadd.s32 s3, s9;
	s6 =	sadd.s32 @!p0 $0x88, s6;
	s7 =	simm.s32 @p2 $0x1082  }
0x22: {  	[simem:s7], [sflag:s8] =	dma.local @!p0 [hbm:s6], $0xF7A  }
0x23: {  	s9 =	sor.u32 $0xD0000000, s2;
	s6 =	simm.s32 $0x108;
	_ =	swait.ge @!p0 [sflag:s8], $0x0  }
0x24: {  	s3 =	sadd.s32 $0x88, s3;
	s6 =	simm.s32 @!p1 $0x1082;
	[sflag:s4] =	ssyncset.s32 $0xFFFFF086  }
0x25: {  	[simem:s6], [sflag:s4] =	dma.local [hbm:s3], $0xF7A  }
0x26: {  	[smem:$0x3F86] =	sst s1;
	(tag) =	ssettag s2;
	_ =	strace s9  }
0x27: {  	s1 =	sld [smem:$0x3F96]  }
0x28: {  	s2 =	sld [smem:$0x3F97]  }
0x29: {  	s4 =	sld [smem:$0x3F99]  }
0x2a: {  	p0 =	seq.s32 s5, $0x0;
	s5 =	sld [smem:$0x3F9A]  }
0x2b: {  	s6 =	sld [smem:$0x3F9B]  }
0x2c: {  	s7 =	sld [smem:$0x3F9C]  }
0x2d: {  	s3 =	simm.s32 $0x108;
	s8 =	sld [smem:$0x3F9D]  }
0x2e: {  	s3 =	simm.s32 @!p0 $0x1082;
	s9 =	sld [smem:$0x3F9E]  }
0x2f: {  	lr =	sadd.s32 s0, s3;
	s0 =	sld [smem:$0x3F95]  }
0x30: {  	s3 =	sld [smem:$0x3F98]  }
0x31: {  	[smem:$0x3FA1] =	sst s10  }
0x32: {  	s10 =	sld [smem:$0x3F9F];
	_ =	sdelay $0x3  }
0x33: {  	p0 =	seq.s32 s10, $0x1;
	s10 =	sld [smem:$0x3FA1];
	_ =	sdelay $0x3  }
0x34: {  	[smem:$0x3FA1] =	sst s10  }
0x35: {  	s10 =	sld [smem:$0x3FA0];
	_ =	sdelay $0x3  }
0x36: {  	p1 =	seq.s32 s10, $0x1;
	s10 =	sld [smem:$0x3FA1];
	_ =	sdelay $0x3  }
0x37: {  	[smem:$0x3FA1] =	sst s10  }
0x38: {  	s10 =	sld [smem:$0x3FA2]  }
0x39: {  	_ = 	snop;
	(pc) =	sbr.ind lr, $3  }
0x3a: {  	_ = 	snop  }
0x3b: {  	_ = 	snop  }
0x3c: {  	p2 =	seq.s32 s10, $0x1;
	s10 =	sld [smem:$0x3FA1]  }
0x3d: {  	_ =	shalt  }
0x3e: {  	_ =	shalt  }
0x3f: {  	_ =	shalt  }
0x40: {  	_ =	shalt  }
0x41: {  	_ =	shalt  }
0x42: {  	_ =	shalt  }
0x43: {  	_ =	shalt  }
0x44: {  	_ =	shalt  }
0x45: {  	_ =	shalt  }
0x46: {  	_ =	shalt  }
0x47: {  	_ =	shalt  }
0x48: {  	_ =	shalt  }
0x49: {  	_ =	shalt  }
0x4a: {  	_ =	shalt  }
0x4b: {  	_ =	shalt  }
0x4c: {  	_ =	shalt  }
0x4d: {  	_ =	shalt  }
0x4e: {  	_ =	shalt  }
0x4f: {  	_ =	shalt  }
0x50: {  	_ =	shalt  }
0x51: {  	_ =	shalt  }
0x52: {  	_ =	shalt  }
0x53: {  	_ =	shalt  }
0x54: {  	_ =	shalt  }
0x55: {  	_ =	shalt  }
0x56: {  	_ =	shalt  }
0x57: {  	_ =	shalt  }
0x58: {  	_ =	shalt  }
0x59: {  	_ =	shalt  }
0x5a: {  	_ =	shalt  }
0x5b: {  	_ =	shalt  }
0x5c: {  	_ =	shalt  }
0x5d: {  	_ =	shalt  }
0x5e: {  	_ =	shalt  }
0x5f: {  	_ =	shalt  }
0x60: {  	_ =	shalt  }
0x61: {  	_ =	shalt  }
0x62: {  	_ =	shalt  }
0x63: {  	_ =	shalt  }
0x64: {  	_ =	shalt  }
0x65: {  	_ =	shalt  }
0x66: {  	_ =	shalt  }
0x67: {  	_ =	shalt  }
0x68: {  	_ =	shalt  }
0x69: {  	_ =	shalt  }
0x6a: {  	_ =	shalt  }
0x6b: {  	_ =	shalt  }
0x6c: {  	_ =	shalt  }
0x6d: {  	_ =	shalt  }
0x6e: {  	_ =	shalt  }
0x6f: {  	_ =	shalt  }
0x70: {  	_ =	shalt  }
0x71: {  	_ =	shalt  }
0x72: {  	_ =	shalt  }
0x73: {  	_ =	shalt  }
0x74: {  	_ =	shalt  }
0x75: {  	_ =	shalt  }
0x76: {  	_ =	shalt  }
0x77: {  	_ =	shalt  }
0x78: {  	_ =	shalt  }
0x79: {  	_ =	shalt  }
0x7a: {  	_ =	shalt  }
0x7b: {  	_ =	shalt  }
0x7c: {  	_ =	shalt  }
0x7d: {  	_ =	shalt  }
0x7e: {  	_ =	shalt  }
0x7f: {  	_ =	shalt  }
0x80: {  	_ =	shalt  }
0x81: {  	_ =	shalt  }
0x82: {  	_ =	shalt  }
0x83: {  	_ =	shalt  }
0x84: {  	_ =	shalt  }
0x85: {  	_ =	shalt  }
0x86: {  	_ =	shalt  }
0x87: {  	_ =	shalt  }
.Lfunc_end0:
.L_simem_size_0:
called_computation_lowered:
.L_overlay_start_0:
0x88: {  	s2 =	sld [smem:$0x3FD9]  }
0x89: {  	s3 =	sld [smem:$0x3FFE];
	_ =	sdelay $0x1  }
0x8a: {  	s1 =	srdreg.scid  }
0x8b: {  	s0 =	sand.u32 $0x1, s1  }
0x8c: {  	s14 =	sshll.u32 s0, $0xA;
	s2 =	sadd.s32 s3, s2  }
0x8d: {  	s2 =	sadd.s32 s2, s14  }
0x8e: {  	[smem:$0x3FAD] =	sst s2  }
0x8f: {  	_ = 	snop  }
0x90: {  	s2 =	sld [smem:$0x3FD0];
	_ =	sdelay $0x2  }
0x91: {  	s4 =	simm.s32 $0xA;
	s5 =	simm.s32 $0x10;
	s15 =	sld [smem:$0x3FC9]  }
0x92: {  	[smem:s5], [sflag:s4] =	dma.local [hbm:s2], $0x1  }
0x93: {  	_ =	swait.eq [sflag:s4], $0x1  }
0x94: {  	[sflag:s4] =	ssyncset.done $0x0  }
0x95: {  	[sflag:s4] =	ssyncadd.s32 $0xFFFFFFFF  }
0x96: {  	s16 =	sld [smem:$0x10];
	(tm) =	ssettm $0x1  }
0x97: {  	s17 =	sld [smem:$0x3FFB];
	_ =	sdelay $0x3  }
0x98: {  	_ =	strace s17  }
0x99: {  	s4 =	sld [smem:$0x3FFC];
	_ =	sdelay $0x3  }
0x9a: {  	_ =	strace s4  }
0x9b: {  	s4 =	sld [smem:$0x3FFD];
	_ =	sdelay $0x3  }
0x9c: {  	_ =	strace s4  }
0x9d: {  	_ =	strace $0x8FFFFFFF  }
0x9e: {  	s18 =	sld [smem:$0x3FDB];
	_ =	sdelay $0x1  }
0x9f: {  	s19 =	simm.s32 $_scs_section_size  }
0xa0: {  	s6 =	simm.s32 $_size__tile_overlayer_lowered;
	s7 =	simm.s32 $_tile_overlayer_lowered  }
0xa1: {  	s22 =	simm.s32 $0x1BFF;
	s21 =	sshll.u32 s7, $0x1;
	s4 =	sadd.s32 s19, s18  }
0xa2: {  	s8 =	simm.s32 $0x0;
	s20 =	sshll.u32 s6, $0x1;
	s6 =	sadd.s32 s21, s4  }
0xa3: {  	[timem:s8], [sflag:s22] =	dma.local [hbm:s6], s20  }
0xa4: {  	_ =	swait.ge [sflag:s22], s20  }
0xa5: {  	s5 =	ssub.s32 $0x0, s20;
	[sflag:s22] =	ssyncset.done $0x0  }
0xa6: {  	[sflag:s22] =	ssyncadd.s32 s5;
	_ =	sdelay $0x1  }
0xa7: {  	s23 =	simm.s32 $0x1B8B  }
0xa8: {  	_ =	swait.ge [sflag:s23], $0x1  }
0xa9: {  	[sflag:s23] =	ssyncset.done $0x0  }
0xaa: {  	s25 =	simm.s32 $0x1B8E;
	s24 =	sld [smem:$0x3FFE];
	[sflag:s23] =	ssyncadd.s32 $0xFFFFFFFF  }
0xab: {  	s26 =	simm.s32 $execute0_lowered;
	[smem:$0x3FD2] =	sst s25  }
0xac: {  	s6 =	sshll.u32 s26, $0x1;
	_ =	strace $0x80000046;
	[dreg:$0x1] =	wrdreg $0xFFFFFFFF  }
0xad: {  	s28 =	simm.s32 $_size_execute0_lowered;
	s4 =	sadd.s32 s4, s6;
	[dreg:$0x0] =	wrdreg $0x0  }
0xae: {  	s6 =	sshll.u32 s28, $0x1;
	[dreg:$0x2] =	wrdreg s4  }
0xaf: {  	[dreg:$0x3] =	wrdreg s6  }
0xb0: {  	[dreg:$0x4] =	wrdreg $0xC0  }
0xb1: {  	_ =	task [dreg:s8], $0x5FFFF  }
0xb2: {  	[dreg:$0x1] =	wrdreg $0xFFFFFFFF  }
0xb3: {  	[dreg:$0x0] =	wrdreg $0x60  }
0xb4: {  	[dreg:$0x2] =	wrdreg s15  }
0xb5: {  	[dreg:$0x3] =	wrdreg s16  }
0xb6: {  	[dreg:$0x4] =	wrdreg s24  }
0xb7: {  	[dreg:$0x5] =	wrdreg $0x0  }
0xb8: {  	[dreg:$0x6] =	wrdreg $0x9  }
0xb9: {  	_ =	task.clear_ibuf [dreg:s8], $0x7FFFF;
	_ =	strace $0x90000046  }
0xba: {  	s29 =	simm.s32 $0x9;
	_ =	strace $0x80000048  }
0xbb: {  	_ =	swait.ge [sflag:s29], $0x1  }
0xbc: {  	[sflag:s29] =	ssyncadd.s32 $0xFFFFFFFF  }
0xbd: {  	_ =	strace $0x90000048  }
0xbe: {  	_ =	sfence  }
0xbf: {  	s30 =	sld [smem:$0x0];
	_ =	sdelay $0x2  }
0xc0: {  	s31 =	sshll.u32 s1, $0xD;
	s1 =	sshrl.u32 s1, $0x2  }
0xc1: {  	s3 =	sand.u32 $0x4000, s31;
	s1 =	sadd.s32 s1, s30  }
0xc2: {  	s0 =	sor.u32 s3, s0;
	s1 =	sshll.u32 s1, $0x11  }
0xc3: {  	s0 =	sor.u32 s1, s0  }
0xc4: {  	s0 =	sadd.s32 $0x8F2B, s0  }
0xc5: {  	[sflag:s0] =	ssyncadd.remote.s32 $0x1  }
0xc6: {  	_ =	sfence.sel $0xFFFF  }
0xc7: {  	[dreg:$0x0] =	wrdreg $0xFFFFFFFF;
	(pc) =	sbr.abs _section_cstart, $3  }
0xc8: {  	[dreg:$0x1] =	wrdreg $0xFFFFFFFF  }
0xc9: {  	_ =	task.clear_ibuf [dreg:s8], $0x2FFFF;
	_ =	strace $0x9FFFFFFF  }
0xca: {  	(tm) =	ssettm $0x7FFFFFFF  }
0xcb: {  	_ =	shalt  }
tec
execute0_lowered:
.L_overlay_start_1:
0x0: {  	(tag) =	ssettag $0x1  }
0x1: {  	s1 =	rddreg [dreg:$0x0]  }
0x2: {  	s8 =	rddreg [dreg:$0x1]  }
0x3: {  	s5 =	rddreg [dreg:$0x2];
	s2 =	srdreg.scid  }
0x4: {  	s0 =	stileid.u32;
	s3 =	rddreg [dreg:$0x3];
	s4 =	simm.s32 $0x0  }
0x5: {  	s14 =	simm.s32 $0x13880;
	s15 =	simm.s32 $0x13900;
	s16 =	simm.s32 $0x80  }
0x6: {  	s17 =	simm.s32 $0x13980;
	s18 =	simm.s32 $0x1;
	s19 =	simm.s32 $0x0  }
0x7: {  	s6 =	sand.u32 $0x1, s2;
	s7 =	smul.u32 $0x9C, s0;
	s2 =	rddreg [dreg:$0x4]  }
0x8: {  	s10 =	sshll.u32 s0, $0x1;
	s11 =	smul.u32 $0x278, s0;
	[smem:$0x7FF] =	sst s4  }
0x9: {  	p1 =	slt.u32 s0, $0x2;
	s31 =	sshll.u32 s0, $0x6;
	s9 =	smul.u32 $0x4E, s6  }
0xa: {  	s22 =	sor.u32 s6, s10;
	s24 =	smul.u32 $0x138800, s6;
	_ =	strace $0x80000047  }
0xb: {  	s12 =	ssub.s32 $0x2, s6;
	p0 =	seq.s32 s6, $0x0;
	s23 =	smin.u32 s11, $0x2498  }
0xc: {  	s28 =	sshrl.u32 s12, $0x1;
	s8 =	smov.u32 @p0 s1;
	s7 =	sadd.s32 s9, s7  }
0xd: {  	s9 =	smin.u32 s22, $0x4;
	s25 =	sshll.u32 s23, $0x7;
	s30 =	sshll.u32 s23, $0x4  }
0xe: {  	s7 =	sadd.s32 s9, s7;
	s11 =	sadd.s32 s24, s25;
	s29 =	sadd.s32 s25, s3  }
0xf: {  	s8 =	sadd.s32 s8, s30;
	s9 =	sor.u32 $0x1C02, s31;
	s7 =	sshll.u32 s7, $0x4  }
0x10: {  	s26 =	sshrl.u32 s11, $0x3;
	s11 =	ssub.s32 s12, s28;
	s12 =	sshrl.u32 s29, $0x3  }
0x11: {  	s13 =	sadd.s32 s7, s5;
	s7 =	sadd.s32 s26, s5;
	s5 =	simm.s32 $0x4F  }
0x12: {  	s5 =	simm.s32 @!p1 $0x4E;
	s6 =	sadd.s32 $0x18400, s7;
	s7 =	smax.u32 s11, $0x1  }
0x13: {  	s10 =	sadd.s32 $0xE600, s13;
	s11 =	sadd.s32 $0x4800, s13;
	s13 =	simm.s32 $0x2  }
.LBB2_1:
0x14: {  	[spmem:s12], [sflag:s9] =	dma.local [hbm:s8], $0x2780  }
0x15: {  	_ =	swait.ge [sflag:s13], $0x2780  }
0x16: {  	[sflag:s13] =	ssyncset.done $0x0  }
0x17: {  	[sflag:s13] =	ssyncadd.s32 $0xFFFFD880  }
0x18: {  	[bflag:$0x0] =	sbarrier.arrive $0xFFFF  }
0x19: {  	[tilespmem:s14], [sflag:$0x2] =	stream.linear.gather [hbm4b:s10+s4], $0x80, $0x38;
	[tilespmem:$0x17980] =	vst v63  }
0x1a: {  	_ =	swait.ge [sflag:s13], $0x80  }
0x1b: {  	[sflag:s13] =	ssyncset.done $0x0  }
0x1c: {  	[sflag:s13] =	ssyncadd.s32 $0xFFFFFF80  }
0x1d: {  	[tilespmem:s15], [sflag:$0x2] =	stream.linear.gather [hbm4b:s11+s4], $0x80, $0x38;
	[tilespmem:$0x17980] =	vst v63  }
0x1e: {  	_ =	swait.ge [sflag:s13], $0x80  }
0x1f: {  	[sflag:s13] =	ssyncset.done $0x0  }
0x20: {  	[sflag:s13] =	ssyncadd.s32 $0xFFFFFF80  }
0x21: {  	[tilespmem:s17], [sflag:$0x1] =	stream.indirect.gather [hbm4b:s1+s16], $0x80, s14, s16, $0xb8;
	[tilespmem:$0x17980] =	vst v63  }
0x22: {  	p0 =	sne.s32 s5, $0x1;
	_ =	swait.ge [sflag:s18], $0x4000  }
.Ltmp0:
0x23: {  	[sflag:s18] =	ssyncset.done $0x0;
	(pc) =	sbr.rel @!p0 .LBB2_3-.Ltmp0, $4  }
0x24: {  	[sflag:s18] =	ssyncadd.s32 $0xFFFFC000  }
0x25: {  	[spmem:s3] =	stream.indirect.scatter.add.f32 [tilespmem:s17], [sflag:$0x2], $0x80, s15, s16, $0xb8;
	[tilespmem:$0x17980] =	vst v63  }
0x26: {  	s20 =	sadd.s32 $0xFFFFFFFF, s5;
	_ =	swait.ge [sflag:s13], $0x4000  }
0x27: {  	s21 =	smov.u32 s10;
	s22 =	smov.u32 s11;
	[sflag:s13] =	ssyncset.done $0x0  }
.LBB2_2:
0x28: {  	[sflag:s13] =	ssyncadd.s32 $0xFFFFC000;
	s21 =	sadd.s32 $0x10, s21;
	s22 =	sadd.s32 $0x10, s22  }
0x29: {  	[tilespmem:s14], [sflag:$0x2] =	stream.linear.gather [hbm4b:s21+s4], $0x80, $0x38;
	[tilespmem:$0x17980] =	vst v63  }
0x2a: {  	p0 =	sne.s32 s20, $0x1;
	s20 =	sadd.s32 $0xFFFFFFFF, s20;
	_ =	swait.ge [sflag:s13], $0x80  }
0x2b: {  	[sflag:s13] =	ssyncset.done $0x0  }
0x2c: {  	[sflag:s13] =	ssyncadd.s32 $0xFFFFFF80  }
0x2d: {  	[tilespmem:s15], [sflag:$0x2] =	stream.linear.gather [hbm4b:s22+s4], $0x80, $0x38;
	[tilespmem:$0x17980] =	vst v63  }
0x2e: {  	_ =	swait.ge [sflag:s13], $0x80  }
0x2f: {  	[sflag:s13] =	ssyncset.done $0x0  }
0x30: {  	[sflag:s13] =	ssyncadd.s32 $0xFFFFFF80  }
0x31: {  	[tilespmem:s17], [sflag:$0x1] =	stream.indirect.gather [hbm4b:s1+s16], $0x80, s14, s16, $0xb8;
	[tilespmem:$0x17980] =	vst v63  }
0x32: {  	_ =	swait.ge [sflag:s18], $0x4000  }
.Ltmp1:
0x33: {  	[sflag:s18] =	ssyncset.done $0x0;
	(pc) =	sbr.rel @p0 .LBB2_2-.Ltmp1, $4  }
0x34: {  	[sflag:s18] =	ssyncadd.s32 $0xFFFFC000  }
0x35: {  	[spmem:s3] =	stream.indirect.scatter.add.f32 [tilespmem:s17], [sflag:$0x2], $0x80, s15, s16, $0xb8;
	[tilespmem:$0x17980] =	vst v63  }
0x36: {  	_ =	swait.ge [sflag:s13], $0x4000  }
0x37: {  	[sflag:s13] =	ssyncset.done $0x0  }
.LBB2_3:
0x38: {  	s19 =	sadd.s32 $0x1, s19  }
0x39: {  	[sflag:s13] =	ssyncadd.s32 $0xFFFFC000;
	p0 =	sne.s32 s19, s7  }
.Ltmp2:
0x3a: {  	[bflag:$0x0] =	sbarrier.arrive $0xFFFF;
	(pc) =	sbr.rel @p0 .LBB2_1-.Ltmp2, $4  }
0x3b: {  	[hbm:s6], [sflag:s9] =	dma.local [spmem:s12], $0x2780  }
0x3c: {  	_ =	swait.ge [sflag:s13], $0x2780  }
0x3d: {  	[sflag:s13] =	ssyncset.done $0x0  }
0x3e: {  	[sflag:s13] =	ssyncadd.s32 $0xFFFFD880  }
0x3f: {  	_ =	sfence.sel $0x180000  }
0x40: {  	[bflag:$0x0] =	sbarrier.arrive $0xFFFF  }
0x41: {  	p0 =	sne.s32 s0, $0x0;
	_ =	strace $0x90000047  }
0x42: {  	s0 =	sadd.s32 @!p0 $0x100000, s2;
	[bflag:$0x2] =	sbarrier.arrive $0xFFFF  }
0x43: {  	[sflag:s0] =	ssyncadd.tile.s32 @!p0 $0x1;
	_ =	shalt  }
.Lfunc_end2:
_tile_overlayer_lowered:
.L_overlay_start_2:
0x44: {  	(tag) =	ssettag $0x2  }
0x45: {  	s0 =	rddreg [dreg:$0x0];
	s2 =	stileid.u32  }
0x46: {  	s1 =	rddreg [dreg:$0x1];
	p0 =	sne.s32 s2, $0x0  }
0x47: {  	s3 =	rddreg [dreg:$0x2];
	[bflag:$0x3] =	sbarrier.arrive $0xFFFF;
	s2 =	simm.s32 @!p0 $0x1C02  }
0x48: {  	[timem:s3], [sflag:s2] =	dma.local @!p0 [hbm:s0], s1  }
0x49: {  	s0 =	simm.s32 @!p0 $0x2  }
0x4a: {  	_ =	swait.ge @!p0 [sflag:s0], s1  }
0x4b: {  	s1 =	ssub.s32 @!p0 $0x0, s1;
	[sflag:s0] =	ssyncset.done @!p0 $0x0  }
0x4c: {  	[sflag:s0] =	ssyncadd.s32 @!p0 s1  }
0x4d: {  	[bflag:$0x3] =	sbarrier.arrive $0xFFFF  }
0x4e: {  	_ =	shalt  }

</sc_bundles>
